<compile_context>
chip_gen: v7x
topology: tpu7x:2x2x1
jax: 0.10.2.dev20260603
libtpu: 0.0.44.dev20260713+nightly
codegen_flags: <defaults>
</compile_context>

<pallas_src>
import jax
import jax.numpy as jnp
from jax import lax
from jax.experimental import pallas as pl
from jax.experimental.pallas import tpu as pltpu
from jax.experimental.pallas import tpu_sc as plsc

_D = 256
_B_TOTAL = 32 * 1024
_NC, _NS = 2, 16
_NW = _NC * _NS
_B_PER_W = _B_TOTAL // _NW
_CHUNK = 64
_NCHUNK = _B_PER_W // _CHUNK
_NBUF = 4


def _gather_body(idx_hbm, table_hbm, out_hbm, idx_v, rows_v, gsems, wsems):
    wid = lax.axis_index("s") * _NC + lax.axis_index("c")
    pltpu.sync_copy(idx_hbm.at[wid], idx_v)

    def start(i, b):
        pltpu.async_copy(
            table_hbm.at[idx_v.at[pl.ds(i * _CHUNK, _CHUNK)]],
            rows_v.at[b],
            gsems.at[b],
        )

    for b in range(_NBUF):
        start(b, b)

    def group(g, carry):
        i0 = g * _NBUF
        for b in range(_NBUF):
            i = i0 + b
            pltpu.make_async_copy(
                table_hbm.at[idx_v.at[pl.ds(i * _CHUNK, _CHUNK)]],
                rows_v.at[b],
                gsems.at[b],
            ).wait()
            pltpu.async_copy(
                rows_v.at[b],
                out_hbm.at[wid, pl.ds(i * _CHUNK, _CHUNK)],
                wsems.at[b],
            )

            @pl.when(i + _NBUF < _NCHUNK)
            def _():
                pltpu.make_async_copy(
                    rows_v.at[b],
                    out_hbm.at[wid, pl.ds(i * _CHUNK, _CHUNK)],
                    wsems.at[b],
                ).wait()
                start(i + _NBUF, b)

        return carry

    lax.fori_loop(0, _NCHUNK // _NBUF, group, 0)

    for b in range(_NBUF):
        pltpu.make_async_copy(
            rows_v.at[b],
            out_hbm.at[wid, pl.ds((_NCHUNK - _NBUF + b) * _CHUNK, _CHUNK)],
            wsems.at[b],
        ).wait()


@jax.jit
def _gather(x, table):
    mesh = plsc.VectorSubcoreMesh(core_axis_name="c", subcore_axis_name="s")
    return pl.kernel(
        _gather_body,
        mesh=mesh,
        out_type=jax.ShapeDtypeStruct((_NW, _B_PER_W, _D), jnp.float32),
        scratch_types=[
            pltpu.VMEM((_B_PER_W,), jnp.int32),
            pltpu.VMEM((_NBUF, _CHUNK, _D), jnp.float32),
            pltpu.SemaphoreType.DMA((_NBUF,)),
            pltpu.SemaphoreType.DMA((_NBUF,)),
        ],
    )(x, table)


def kernel(x, table):
    return _gather(x.astype(jnp.int32), table)

# --- scband reference (transcript-rebuilt; emitter-appended) ---
"""Pipeline reference for scband-merged-codebook-13254269075557 (READ-ONLY COPY).

The authoritative reference and input builder live on the scoring server;
editing this copy changes nothing except your own understanding.
"""

import jax, jax.numpy as jnp
import numpy as np

N_LEVELS = 4
NUM_EMB = 1024
EMBED_DIM = 256
NUM_SPECIAL = 16
PAD_TOKEN_ID = 0
TOTAL = N_LEVELS * NUM_EMB + NUM_SPECIAL  # 4112
B, S = 32, 1024


def setup_inputs(seed: int = 0) -> dict:
    key = jax.random.key(seed)
    k1, k2, k3 = jax.random.split(key, 3)
    # codebooks passed to __init__: [n_levels, num_embeddings, embed_dim]
    codebooks = jax.random.normal(k1, (N_LEVELS, NUM_EMB, EMBED_DIM), dtype=jnp.float32)
    # merged embedding table: uniform(-1/total, 1/total), then copy codebooks level by level
    table = jax.random.uniform(
        k2, (TOTAL, EMBED_DIM), dtype=jnp.float32,
        minval=-1.0 / TOTAL, maxval=1.0 / TOTAL,
    )
    table = table.at[: N_LEVELS * NUM_EMB].set(codebooks.reshape(-1, EMBED_DIM))
    x = jax.random.randint(k3, (B, S), 0, TOTAL)
    return {"x": x, "table": table}


def reference(x, table):
    # nn.Embedding forward == row gather
    return jnp.take(table, x, axis=0)

if __name__ == "__main__":
    import jax
    _d = setup_inputs()
    print(jax.jit(kernel)(*tuple(_d.values())))

</pallas_src>

<mosaic_0001>
#map = affine_map<(d0, d1) -> (0, 0)>
#map1 = affine_map<(d0, d1) -> (0, 0, 0)>
module attributes {stable_mosaic.version = 14 : i64} {
  func.func @_gather_body(%arg0: i32, %arg1: i32, %arg2: memref<32x1024xi32, #tpu.memory_space<hbm>>, %arg3: memref<4112x256xf32, #tpu.memory_space<hbm>>, %arg4: memref<32x1024x256xf32, #tpu.memory_space<hbm>>, %arg5: memref<1024xi32, #tpu.memory_space<vmem>>, %arg6: memref<4x64x256xf32, #tpu.memory_space<vmem>>, %arg7: memref<4x!tpu.dma_semaphore, #tpu.memory_space<semaphore_mem>>, %arg8: memref<4x!tpu.dma_semaphore, #tpu.memory_space<semaphore_mem>>) attributes {dimension_semantics = [#tpu.dimension_semantics<core_parallel>, #tpu.dimension_semantics<subcore_parallel>], iteration_bounds = array<i64: 2, 16>, scalar_prefetch = 0 : i64, scratch_operands = 4 : i64, tpu.core_type = #tpu.core_type<sc_vector_subcore>, window_params = [{transform_indices = #map}, {transform_indices = #map}, {transform_indices = #map1}]} {
    %mul3A = arith.constant 2 : i32
    %mul3A_0 = arith.muli %arg1, %mul3A : i32
    %add3A = arith.addi %mul3A_0, %arg0 : i32
    "tpu.region"() ({
      %run_scoped3A = tpu.sem_alloc : memref<!tpu.dma_semaphore, #tpu.memory_space<semaphore_mem>>
      %dma_start3A_136 = arith.constant 0 : i32
      %dma_start3A_137 = tpu.memref_slice %arg2[%add3A, %dma_start3A_136] : memref<32x1024xi32, #tpu.memory_space<hbm>> -> memref<1x1024xi32, #tpu.memory_space<hbm>>
      %dma_start3A_138 = tpu.memref_squeeze %dma_start3A_137 : memref<1x1024xi32, #tpu.memory_space<hbm>> -> memref<1024xi32, #tpu.memory_space<hbm>>
      %dma_start3A_139 = arith.constant 0 : i32
      %dma_start3A_140 = tpu.memref_slice %arg2[%add3A, %dma_start3A_139] : memref<32x1024xi32, #tpu.memory_space<hbm>> -> memref<1x1024xi32, #tpu.memory_space<hbm>>
      %dma_start3A_141 = tpu.memref_squeeze %dma_start3A_140 : memref<1x1024xi32, #tpu.memory_space<hbm>> -> memref<1024xi32, #tpu.memory_space<hbm>>
      tpu.enqueue_dma source(%dma_start3A_141 : memref<1024xi32, #tpu.memory_space<hbm>>) target(%arg5 : memref<1024xi32, #tpu.memory_space<vmem>>) target_semaphore(%run_scoped3A : memref<!tpu.dma_semaphore, #tpu.memory_space<semaphore_mem>>)
      %dma_wait3A_142 = arith.constant 0 : i32
      %dma_wait3A_143 = tpu.memref_slice %arg2[%add3A, %dma_wait3A_142] : memref<32x1024xi32, #tpu.memory_space<hbm>> -> memref<1x1024xi32, #tpu.memory_space<hbm>>
      %dma_wait3A_144 = tpu.memref_squeeze %dma_wait3A_143 : memref<1x1024xi32, #tpu.memory_space<hbm>> -> memref<1024xi32, #tpu.memory_space<hbm>>
      %dma_wait3A_145 = arith.constant 0 : i32
      %dma_wait3A_146 = tpu.memref_slice %arg2[%add3A, %dma_wait3A_145] : memref<32x1024xi32, #tpu.memory_space<hbm>> -> memref<1x1024xi32, #tpu.memory_space<hbm>>
      %dma_wait3A_147 = tpu.memref_squeeze %dma_wait3A_146 : memref<1x1024xi32, #tpu.memory_space<hbm>> -> memref<1024xi32, #tpu.memory_space<hbm>>
      tpu.wait_dma2 semaphore(%run_scoped3A : memref<!tpu.dma_semaphore, #tpu.memory_space<semaphore_mem>>) src(%dma_wait3A_147 : memref<1024xi32, #tpu.memory_space<hbm>>) dst(%arg5 : memref<1024xi32, #tpu.memory_space<vmem>>)
      tpu.yield
    }) : () -> ()
    %dma_start3A = arith.constant 0 : i32
    %dma_start3A_1 = arith.constant 0 : i32
    %dma_start3A_2 = arith.constant 0 : i32
    %dma_start3A_3 = arith.constant 0 : i32
    %dma_start3A_4 = tpu.memref_slice %arg6[%dma_start3A, %dma_start3A_2, %dma_start3A_3] : memref<4x64x256xf32, #tpu.memory_space<vmem>> -> memref<1x64x256xf32, #tpu.memory_space<vmem>>
    %dma_start3A_5 = tpu.memref_squeeze %dma_start3A_4 : memref<1x64x256xf32, #tpu.memory_space<vmem>> -> memref<64x256xf32, #tpu.memory_space<vmem>>
    %dma_start3A_6 = arith.constant 0 : i32
    %dma_start3A_7 = tpu.memref_slice %arg5[%dma_start3A_6] : memref<1024xi32, #tpu.memory_space<vmem>> -> memref<64xi32, #tpu.memory_space<vmem>>
    %dma_start3A_8 = arith.constant 0 : i32
    %dma_start3A_9 = arith.constant 0 : i32
    %dma_start3A_10 = tpu.memref_slice %arg3[%dma_start3A_8, %dma_start3A_9] : memref<4112x256xf32, #tpu.memory_space<hbm>> -> memref<4112x256xf32, #tpu.memory_space<hbm>>
    %dma_start3A_11 = tpu.memref_slice %arg7[%dma_start3A_1] : memref<4x!tpu.dma_semaphore, #tpu.memory_space<semaphore_mem>> -> memref<1x!tpu.dma_semaphore, #tpu.memory_space<semaphore_mem>>
    %dma_start3A_12 = tpu.memref_squeeze %dma_start3A_11 : memref<1x!tpu.dma_semaphore, #tpu.memory_space<semaphore_mem>> -> memref<!tpu.dma_semaphore, #tpu.memory_space<semaphore_mem>>
    tpu.enqueue_indirect_dma source(%dma_start3A_10 : memref<4112x256xf32, #tpu.memory_space<hbm>>) target(%dma_start3A_5 : memref<64x256xf32, #tpu.memory_space<vmem>>) offsets(%dma_start3A_7 : memref<64xi32, #tpu.memory_space<vmem>>) semaphore(%dma_start3A_12 : memref<!tpu.dma_semaphore, #tpu.memory_space<semaphore_mem>>)
    %dma_start3A_13 = arith.constant 1 : i32
    %dma_start3A_14 = arith.constant 1 : i32
    %dma_start3A_15 = arith.constant 0 : i32
    %dma_start3A_16 = arith.constant 0 : i32
    %dma_start3A_17 = tpu.memref_slice %arg6[%dma_start3A_13, %dma_start3A_15, %dma_start3A_16] : memref<4x64x256xf32, #tpu.memory_space<vmem>> -> memref<1x64x256xf32, #tpu.memory_space<vmem>>
    %dma_start3A_18 = tpu.memref_squeeze %dma_start3A_17 : memref<1x64x256xf32, #tpu.memory_space<vmem>> -> memref<64x256xf32, #tpu.memory_space<vmem>>
    %dma_start3A_19 = arith.constant 64 : i32
    %dma_start3A_20 = tpu.memref_slice %arg5[%dma_start3A_19] : memref<1024xi32, #tpu.memory_space<vmem>> -> memref<64xi32, #tpu.memory_space<vmem>>
    %dma_start3A_21 = arith.constant 0 : i32
    %dma_start3A_22 = arith.constant 0 : i32
    %dma_start3A_23 = tpu.memref_slice %arg3[%dma_start3A_21, %dma_start3A_22] : memref<4112x256xf32, #tpu.memory_space<hbm>> -> memref<4112x256xf32, #tpu.memory_space<hbm>>
    %dma_start3A_24 = tpu.memref_slice %arg7[%dma_start3A_14] : memref<4x!tpu.dma_semaphore, #tpu.memory_space<semaphore_mem>> -> memref<1x!tpu.dma_semaphore, #tpu.memory_space<semaphore_mem>>
    %dma_start3A_25 = tpu.memref_squeeze %dma_start3A_24 : memref<1x!tpu.dma_semaphore, #tpu.memory_space<semaphore_mem>> -> memref<!tpu.dma_semaphore, #tpu.memory_space<semaphore_mem>>
    tpu.enqueue_indirect_dma source(%dma_start3A_23 : memref<4112x256xf32, #tpu.memory_space<hbm>>) target(%dma_start3A_18 : memref<64x256xf32, #tpu.memory_space<vmem>>) offsets(%dma_start3A_20 : memref<64xi32, #tpu.memory_space<vmem>>) semaphore(%dma_start3A_25 : memref<!tpu.dma_semaphore, #tpu.memory_space<semaphore_mem>>)
    %dma_start3A_26 = arith.constant 2 : i32
    %dma_start3A_27 = arith.constant 2 : i32
    %dma_start3A_28 = arith.constant 0 : i32
    %dma_start3A_29 = arith.constant 0 : i32
    %dma_start3A_30 = tpu.memref_slice %arg6[%dma_start3A_26, %dma_start3A_28, %dma_start3A_29] : memref<4x64x256xf32, #tpu.memory_space<vmem>> -> memref<1x64x256xf32, #tpu.memory_space<vmem>>
    %dma_start3A_31 = tpu.memref_squeeze %dma_start3A_30 : memref<1x64x256xf32, #tpu.memory_space<vmem>> -> memref<64x256xf32, #tpu.memory_space<vmem>>
    %dma_start3A_32 = arith.constant 128 : i32
    %dma_start3A_33 = tpu.memref_slice %arg5[%dma_start3A_32] : memref<1024xi32, #tpu.memory_space<vmem>> -> memref<64xi32, #tpu.memory_space<vmem>>
    %dma_start3A_34 = arith.constant 0 : i32
    %dma_start3A_35 = arith.constant 0 : i32
    %dma_start3A_36 = tpu.memref_slice %arg3[%dma_start3A_34, %dma_start3A_35] : memref<4112x256xf32, #tpu.memory_space<hbm>> -> memref<4112x256xf32, #tpu.memory_space<hbm>>
    %dma_start3A_37 = tpu.memref_slice %arg7[%dma_start3A_27] : memref<4x!tpu.dma_semaphore, #tpu.memory_space<semaphore_mem>> -> memref<1x!tpu.dma_semaphore, #tpu.memory_space<semaphore_mem>>
    %dma_start3A_38 = tpu.memref_squeeze %dma_start3A_37 : memref<1x!tpu.dma_semaphore, #tpu.memory_space<semaphore_mem>> -> memref<!tpu.dma_semaphore, #tpu.memory_space<semaphore_mem>>
    tpu.enqueue_indirect_dma source(%dma_start3A_36 : memref<4112x256xf32, #tpu.memory_space<hbm>>) target(%dma_start3A_31 : memref<64x256xf32, #tpu.memory_space<vmem>>) offsets(%dma_start3A_33 : memref<64xi32, #tpu.memory_space<vmem>>) semaphore(%dma_start3A_38 : memref<!tpu.dma_semaphore, #tpu.memory_space<semaphore_mem>>)
    %dma_start3A_39 = arith.constant 3 : i32
    %dma_start3A_40 = arith.constant 3 : i32
    %dma_start3A_41 = arith.constant 0 : i32
    %dma_start3A_42 = arith.constant 0 : i32
    %dma_start3A_43 = tpu.memref_slice %arg6[%dma_start3A_39, %dma_start3A_41, %dma_start3A_42] : memref<4x64x256xf32, #tpu.memory_space<vmem>> -> memref<1x64x256xf32, #tpu.memory_space<vmem>>
    %dma_start3A_44 = tpu.memref_squeeze %dma_start3A_43 : memref<1x64x256xf32, #tpu.memory_space<vmem>> -> memref<64x256xf32, #tpu.memory_space<vmem>>
    %dma_start3A_45 = arith.constant 192 : i32
    %dma_start3A_46 = tpu.memref_slice %arg5[%dma_start3A_45] : memref<1024xi32, #tpu.memory_space<vmem>> -> memref<64xi32, #tpu.memory_space<vmem>>
    %dma_start3A_47 = arith.constant 0 : i32
    %dma_start3A_48 = arith.constant 0 : i32
    %dma_start3A_49 = tpu.memref_slice %arg3[%dma_start3A_47, %dma_start3A_48] : memref<4112x256xf32, #tpu.memory_space<hbm>> -> memref<4112x256xf32, #tpu.memory_space<hbm>>
    %dma_start3A_50 = tpu.memref_slice %arg7[%dma_start3A_40] : memref<4x!tpu.dma_semaphore, #tpu.memory_space<semaphore_mem>> -> memref<1x!tpu.dma_semaphore, #tpu.memory_space<semaphore_mem>>
    %dma_start3A_51 = tpu.memref_squeeze %dma_start3A_50 : memref<1x!tpu.dma_semaphore, #tpu.memory_space<semaphore_mem>> -> memref<!tpu.dma_semaphore, #tpu.memory_space<semaphore_mem>>
    tpu.enqueue_indirect_dma source(%dma_start3A_49 : memref<4112x256xf32, #tpu.memory_space<hbm>>) target(%dma_start3A_44 : memref<64x256xf32, #tpu.memory_space<vmem>>) offsets(%dma_start3A_46 : memref<64xi32, #tpu.memory_space<vmem>>) semaphore(%dma_start3A_51 : memref<!tpu.dma_semaphore, #tpu.memory_space<semaphore_mem>>)
    %scan3A = arith.constant 0 : i32
    %scan3A_52 = arith.constant 0 : i32
    %scan3A_53 = arith.constant 4 : i32
    %scan3A_54 = arith.addi %scan3A_52, %scan3A_53 : i32
    %scan3A_55 = arith.constant 1 : i32
    scf.for %scan3A_136 = %scan3A_52 to %scan3A_54 step %scan3A_55  : i32 {
      %mul3A_137 = arith.constant 4 : i32
      %mul3A_138 = arith.muli %scan3A_136, %mul3A_137 : i32
      %add3A_139 = arith.constant 0 : i32
      %add3A_140 = arith.addi %mul3A_138, %add3A_139 : i32
      %mul3A_141 = arith.constant 64 : i32
      %mul3A_142 = arith.muli %add3A_140, %mul3A_141 : i32
      %dma_wait3A_143 = arith.constant 0 : i32
      %dma_wait3A_144 = arith.constant 0 : i32
      %dma_wait3A_145 = arith.constant 0 : i32
      %dma_wait3A_146 = arith.constant 0 : i32
      %dma_wait3A_147 = tpu.memref_slice %arg6[%dma_wait3A_143, %dma_wait3A_145, %dma_wait3A_146] : memref<4x64x256xf32, #tpu.memory_space<vmem>> -> memref<1x64x256xf32, #tpu.memory_space<vmem>>
      %dma_wait3A_148 = tpu.memref_squeeze %dma_wait3A_147 : memref<1x64x256xf32, #tpu.memory_space<vmem>> -> memref<64x256xf32, #tpu.memory_space<vmem>>
      %dma_wait3A_149 = tpu.memref_slice %arg5[%mul3A_142] : memref<1024xi32, #tpu.memory_space<vmem>> -> memref<64xi32, #tpu.memory_space<vmem>>
      %dma_wait3A_150 = arith.constant 0 : i32
      %dma_wait3A_151 = arith.constant 0 : i32
      %dma_wait3A_152 = tpu.memref_slice %arg3[%dma_wait3A_150, %dma_wait3A_151] : memref<4112x256xf32, #tpu.memory_space<hbm>> -> memref<4112x256xf32, #tpu.memory_space<hbm>>
      %dma_wait3A_153 = tpu.memref_slice %arg7[%dma_wait3A_144] : memref<4x!tpu.dma_semaphore, #tpu.memory_space<semaphore_mem>> -> memref<1x!tpu.dma_semaphore, #tpu.memory_space<semaphore_mem>>
      %dma_wait3A_154 = tpu.memref_squeeze %dma_wait3A_153 : memref<1x!tpu.dma_semaphore, #tpu.memory_space<semaphore_mem>> -> memref<!tpu.dma_semaphore, #tpu.memory_space<semaphore_mem>>
      tpu.wait_indirect_dma semaphore(%dma_wait3A_154 : memref<!tpu.dma_semaphore, #tpu.memory_space<semaphore_mem>>) src(%dma_wait3A_152 : memref<4112x256xf32, #tpu.memory_space<hbm>>) dst(%dma_wait3A_148 : memref<64x256xf32, #tpu.memory_space<vmem>>)
      %mul3A_155 = arith.constant 64 : i32
      %mul3A_156 = arith.muli %add3A_140, %mul3A_155 : i32
      %dma_start3A_157 = arith.constant 0 : i32
      %dma_start3A_158 = arith.constant 0 : i32
      %dma_start3A_159 = arith.constant 0 : i32
      %dma_start3A_160 = arith.constant 0 : i32
      %dma_start3A_161 = tpu.memref_slice %arg6[%dma_start3A_157, %dma_start3A_159, %dma_start3A_160] : memref<4x64x256xf32, #tpu.memory_space<vmem>> -> memref<1x64x256xf32, #tpu.memory_space<vmem>>
      %dma_start3A_162 = tpu.memref_squeeze %dma_start3A_161 : memref<1x64x256xf32, #tpu.memory_space<vmem>> -> memref<64x256xf32, #tpu.memory_space<vmem>>
      %dma_start3A_163 = arith.constant 0 : i32
      %dma_start3A_164 = tpu.memref_slice %arg4[%add3A, %mul3A_156, %dma_start3A_163] : memref<32x1024x256xf32, #tpu.memory_space<hbm>> -> memref<1x64x256xf32, #tpu.memory_space<hbm>>
      %dma_start3A_165 = tpu.memref_squeeze %dma_start3A_164 : memref<1x64x256xf32, #tpu.memory_space<hbm>> -> memref<64x256xf32, #tpu.memory_space<hbm>>
      %dma_start3A_166 = tpu.memref_slice %arg8[%dma_start3A_158] : memref<4x!tpu.dma_semaphore, #tpu.memory_space<semaphore_mem>> -> memref<1x!tpu.dma_semaphore, #tpu.memory_space<semaphore_mem>>
      %dma_start3A_167 = tpu.memref_squeeze %dma_start3A_166 : memref<1x!tpu.dma_semaphore, #tpu.memory_space<semaphore_mem>> -> memref<!tpu.dma_semaphore, #tpu.memory_space<semaphore_mem>>
      %dma_start3A_168 = arith.constant 0 : i32
      %dma_start3A_169 = tpu.memref_slice %arg4[%add3A, %mul3A_156, %dma_start3A_168] : memref<32x1024x256xf32, #tpu.memory_space<hbm>> -> memref<1x64x256xf32, #tpu.memory_space<hbm>>
      %dma_start3A_170 = tpu.memref_squeeze %dma_start3A_169 : memref<1x64x256xf32, #tpu.memory_space<hbm>> -> memref<64x256xf32, #tpu.memory_space<hbm>>
      %dma_start3A_171 = arith.constant 0 : i32
      %dma_start3A_172 = arith.constant 0 : i32
      %dma_start3A_173 = tpu.memref_slice %arg6[%dma_start3A_157, %dma_start3A_171, %dma_start3A_172] : memref<4x64x256xf32, #tpu.memory_space<vmem>> -> memref<1x64x256xf32, #tpu.memory_space<vmem>>
      %dma_start3A_174 = tpu.memref_squeeze %dma_start3A_173 : memref<1x64x256xf32, #tpu.memory_space<vmem>> -> memref<64x256xf32, #tpu.memory_space<vmem>>
      tpu.enqueue_dma source(%dma_start3A_174 : memref<64x256xf32, #tpu.memory_space<vmem>>) target(%dma_start3A_170 : memref<64x256xf32, #tpu.memory_space<hbm>>) target_semaphore(%dma_start3A_167 : memref<!tpu.dma_semaphore, #tpu.memory_space<semaphore_mem>>)
      %add3A_175 = arith.constant 4 : i32
      %add3A_176 = arith.addi %add3A_140, %add3A_175 : i32
      %lt3A = arith.constant 16 : i32
      %lt3A_177 = arith.cmpi slt, %add3A_176, %lt3A : i32
      %convert_element_type3A = arith.extui %lt3A_177 : i1 to i32
      %cond3A = arith.constant 0 : i32
      %cond3A_178 = arith.cmpi ne, %convert_element_type3A, %cond3A : i32
      scf.if %cond3A_178 {
        %mul3A_308 = arith.constant 64 : i32
        %mul3A_309 = arith.muli %add3A_140, %mul3A_308 : i32
        %dma_wait3A_310 = arith.constant 0 : i32
        %dma_wait3A_311 = arith.constant 0 : i32
        %dma_wait3A_312 = arith.constant 0 : i32
        %dma_wait3A_313 = arith.constant 0 : i32
        %dma_wait3A_314 = tpu.memref_slice %arg6[%dma_wait3A_310, %dma_wait3A_312, %dma_wait3A_313] : memref<4x64x256xf32, #tpu.memory_space<vmem>> -> memref<1x64x256xf32, #tpu.memory_space<vmem>>
        %dma_wait3A_315 = tpu.memref_squeeze %dma_wait3A_314 : memref<1x64x256xf32, #tpu.memory_space<vmem>> -> memref<64x256xf32, #tpu.memory_space<vmem>>
        %dma_wait3A_316 = arith.constant 0 : i32
        %dma_wait3A_317 = tpu.memref_slice %arg4[%add3A, %mul3A_309, %dma_wait3A_316] : memref<32x1024x256xf32, #tpu.memory_space<hbm>> -> memref<1x64x256xf32, #tpu.memory_space<hbm>>
        %dma_wait3A_318 = tpu.memref_squeeze %dma_wait3A_317 : memref<1x64x256xf32, #tpu.memory_space<hbm>> -> memref<64x256xf32, #tpu.memory_space<hbm>>
        %dma_wait3A_319 = tpu.memref_slice %arg8[%dma_wait3A_311] : memref<4x!tpu.dma_semaphore, #tpu.memory_space<semaphore_mem>> -> memref<1x!tpu.dma_semaphore, #tpu.memory_space<semaphore_mem>>
        %dma_wait3A_320 = tpu.memref_squeeze %dma_wait3A_319 : memref<1x!tpu.dma_semaphore, #tpu.memory_space<semaphore_mem>> -> memref<!tpu.dma_semaphore, #tpu.memory_space<semaphore_mem>>
        %dma_wait3A_321 = arith.constant 0 : i32
        %dma_wait3A_322 = tpu.memref_slice %arg4[%add3A, %mul3A_309, %dma_wait3A_321] : memref<32x1024x256xf32, #tpu.memory_space<hbm>> -> memref<1x64x256xf32, #tpu.memory_space<hbm>>
        %dma_wait3A_323 = tpu.memref_squeeze %dma_wait3A_322 : memref<1x64x256xf32, #tpu.memory_space<hbm>> -> memref<64x256xf32, #tpu.memory_space<hbm>>
        %dma_wait3A_324 = arith.constant 0 : i32
        %dma_wait3A_325 = arith.constant 0 : i32
        %dma_wait3A_326 = tpu.memref_slice %arg6[%dma_wait3A_310, %dma_wait3A_324, %dma_wait3A_325] : memref<4x64x256xf32, #tpu.memory_space<vmem>> -> memref<1x64x256xf32, #tpu.memory_space<vmem>>
        %dma_wait3A_327 = tpu.memref_squeeze %dma_wait3A_326 : memref<1x64x256xf32, #tpu.memory_space<vmem>> -> memref<64x256xf32, #tpu.memory_space<vmem>>
        tpu.wait_dma2 semaphore(%dma_wait3A_320 : memref<!tpu.dma_semaphore, #tpu.memory_space<semaphore_mem>>) src(%dma_wait3A_327 : memref<64x256xf32, #tpu.memory_space<vmem>>) dst(%dma_wait3A_323 : memref<64x256xf32, #tpu.memory_space<hbm>>)
        %add3A_328 = arith.constant 4 : i32
        %add3A_329 = arith.addi %add3A_140, %add3A_328 : i32
        %mul3A_330 = arith.constant 64 : i32
        %mul3A_331 = arith.muli %add3A_329, %mul3A_330 : i32
        %dma_start3A_332 = arith.constant 0 : i32
        %dma_start3A_333 = arith.constant 0 : i32
        %dma_start3A_334 = arith.constant 0 : i32
        %dma_start3A_335 = arith.constant 0 : i32
        %dma_start3A_336 = tpu.memref_slice %arg6[%dma_start3A_332, %dma_start3A_334, %dma_start3A_335] : memref<4x64x256xf32, #tpu.memory_space<vmem>> -> memref<1x64x256xf32, #tpu.memory_space<vmem>>
        %dma_start3A_337 = tpu.memref_squeeze %dma_start3A_336 : memref<1x64x256xf32, #tpu.memory_space<vmem>> -> memref<64x256xf32, #tpu.memory_space<vmem>>
        %dma_start3A_338 = tpu.memref_slice %arg5[%mul3A_331] : memref<1024xi32, #tpu.memory_space<vmem>> -> memref<64xi32, #tpu.memory_space<vmem>>
        %dma_start3A_339 = arith.constant 0 : i32
        %dma_start3A_340 = arith.constant 0 : i32
        %dma_start3A_341 = tpu.memref_slice %arg3[%dma_start3A_339, %dma_start3A_340] : memref<4112x256xf32, #tpu.memory_space<hbm>> -> memref<4112x256xf32, #tpu.memory_space<hbm>>
        %dma_start3A_342 = tpu.memref_slice %arg7[%dma_start3A_333] : memref<4x!tpu.dma_semaphore, #tpu.memory_space<semaphore_mem>> -> memref<1x!tpu.dma_semaphore, #tpu.memory_space<semaphore_mem>>
        %dma_start3A_343 = tpu.memref_squeeze %dma_start3A_342 : memref<1x!tpu.dma_semaphore, #tpu.memory_space<semaphore_mem>> -> memref<!tpu.dma_semaphore, #tpu.memory_space<semaphore_mem>>
        tpu.enqueue_indirect_dma source(%dma_start3A_341 : memref<4112x256xf32, #tpu.memory_space<hbm>>) target(%dma_start3A_337 : memref<64x256xf32, #tpu.memory_space<vmem>>) offsets(%dma_start3A_338 : memref<64xi32, #tpu.memory_space<vmem>>) semaphore(%dma_start3A_343 : memref<!tpu.dma_semaphore, #tpu.memory_space<semaphore_mem>>)
      } else {
      }
      %add3A_179 = arith.constant 1 : i32
      %add3A_180 = arith.addi %mul3A_138, %add3A_179 : i32
      %mul3A_181 = arith.constant 64 : i32
      %mul3A_182 = arith.muli %add3A_180, %mul3A_181 : i32
      %dma_wait3A_183 = arith.constant 1 : i32
      %dma_wait3A_184 = arith.constant 1 : i32
      %dma_wait3A_185 = arith.constant 0 : i32
      %dma_wait3A_186 = arith.constant 0 : i32
      %dma_wait3A_187 = tpu.memref_slice %arg6[%dma_wait3A_183, %dma_wait3A_185, %dma_wait3A_186] : memref<4x64x256xf32, #tpu.memory_space<vmem>> -> memref<1x64x256xf32, #tpu.memory_space<vmem>>
      %dma_wait3A_188 = tpu.memref_squeeze %dma_wait3A_187 : memref<1x64x256xf32, #tpu.memory_space<vmem>> -> memref<64x256xf32, #tpu.memory_space<vmem>>
      %dma_wait3A_189 = tpu.memref_slice %arg5[%mul3A_182] : memref<1024xi32, #tpu.memory_space<vmem>> -> memref<64xi32, #tpu.memory_space<vmem>>
      %dma_wait3A_190 = arith.constant 0 : i32
      %dma_wait3A_191 = arith.constant 0 : i32
      %dma_wait3A_192 = tpu.memref_slice %arg3[%dma_wait3A_190, %dma_wait3A_191] : memref<4112x256xf32, #tpu.memory_space<hbm>> -> memref<4112x256xf32, #tpu.memory_space<hbm>>
      %dma_wait3A_193 = tpu.memref_slice %arg7[%dma_wait3A_184] : memref<4x!tpu.dma_semaphore, #tpu.memory_space<semaphore_mem>> -> memref<1x!tpu.dma_semaphore, #tpu.memory_space<semaphore_mem>>
      %dma_wait3A_194 = tpu.memref_squeeze %dma_wait3A_193 : memref<1x!tpu.dma_semaphore, #tpu.memory_space<semaphore_mem>> -> memref<!tpu.dma_semaphore, #tpu.memory_space<semaphore_mem>>
      tpu.wait_indirect_dma semaphore(%dma_wait3A_194 : memref<!tpu.dma_semaphore, #tpu.memory_space<semaphore_mem>>) src(%dma_wait3A_192 : memref<4112x256xf32, #tpu.memory_space<hbm>>) dst(%dma_wait3A_188 : memref<64x256xf32, #tpu.memory_space<vmem>>)
      %mul3A_195 = arith.constant 64 : i32
      %mul3A_196 = arith.muli %add3A_180, %mul3A_195 : i32
      %dma_start3A_197 = arith.constant 1 : i32
      %dma_start3A_198 = arith.constant 1 : i32
      %dma_start3A_199 = arith.constant 0 : i32
      %dma_start3A_200 = arith.constant 0 : i32
      %dma_start3A_201 = tpu.memref_slice %arg6[%dma_start3A_197, %dma_start3A_199, %dma_start3A_200] : memref<4x64x256xf32, #tpu.memory_space<vmem>> -> memref<1x64x256xf32, #tpu.memory_space<vmem>>
      %dma_start3A_202 = tpu.memref_squeeze %dma_start3A_201 : memref<1x64x256xf32, #tpu.memory_space<vmem>> -> memref<64x256xf32, #tpu.memory_space<vmem>>
      %dma_start3A_203 = arith.constant 0 : i32
      %dma_start3A_204 = tpu.memref_slice %arg4[%add3A, %mul3A_196, %dma_start3A_203] : memref<32x1024x256xf32, #tpu.memory_space<hbm>> -> memref<1x64x256xf32, #tpu.memory_space<hbm>>
      %dma_start3A_205 = tpu.memref_squeeze %dma_start3A_204 : memref<1x64x256xf32, #tpu.memory_space<hbm>> -> memref<64x256xf32, #tpu.memory_space<hbm>>
      %dma_start3A_206 = tpu.memref_slice %arg8[%dma_start3A_198] : memref<4x!tpu.dma_semaphore, #tpu.memory_space<semaphore_mem>> -> memref<1x!tpu.dma_semaphore, #tpu.memory_space<semaphore_mem>>
      %dma_start3A_207 = tpu.memref_squeeze %dma_start3A_206 : memref<1x!tpu.dma_semaphore, #tpu.memory_space<semaphore_mem>> -> memref<!tpu.dma_semaphore, #tpu.memory_space<semaphore_mem>>
      %dma_start3A_208 = arith.constant 0 : i32
      %dma_start3A_209 = tpu.memref_slice %arg4[%add3A, %mul3A_196, %dma_start3A_208] : memref<32x1024x256xf32, #tpu.memory_space<hbm>> -> memref<1x64x256xf32, #tpu.memory_space<hbm>>
      %dma_start3A_210 = tpu.memref_squeeze %dma_start3A_209 : memref<1x64x256xf32, #tpu.memory_space<hbm>> -> memref<64x256xf32, #tpu.memory_space<hbm>>
      %dma_start3A_211 = arith.constant 0 : i32
      %dma_start3A_212 = arith.constant 0 : i32
      %dma_start3A_213 = tpu.memref_slice %arg6[%dma_start3A_197, %dma_start3A_211, %dma_start3A_212] : memref<4x64x256xf32, #tpu.memory_space<vmem>> -> memref<1x64x256xf32, #tpu.memory_space<vmem>>
      %dma_start3A_214 = tpu.memref_squeeze %dma_start3A_213 : memref<1x64x256xf32, #tpu.memory_space<vmem>> -> memref<64x256xf32, #tpu.memory_space<vmem>>
      tpu.enqueue_dma source(%dma_start3A_214 : memref<64x256xf32, #tpu.memory_space<vmem>>) target(%dma_start3A_210 : memref<64x256xf32, #tpu.memory_space<hbm>>) target_semaphore(%dma_start3A_207 : memref<!tpu.dma_semaphore, #tpu.memory_space<semaphore_mem>>)
      %add3A_215 = arith.constant 4 : i32
      %add3A_216 = arith.addi %add3A_180, %add3A_215 : i32
      %lt3A_217 = arith.constant 16 : i32
      %lt3A_218 = arith.cmpi slt, %add3A_216, %lt3A_217 : i32
      %convert_element_type3A_219 = arith.extui %lt3A_218 : i1 to i32
      %cond3A_220 = arith.constant 0 : i32
      %cond3A_221 = arith.cmpi ne, %convert_element_type3A_219, %cond3A_220 : i32
      scf.if %cond3A_221 {
        %mul3A_308 = arith.constant 64 : i32
        %mul3A_309 = arith.muli %add3A_180, %mul3A_308 : i32
        %dma_wait3A_310 = arith.constant 1 : i32
        %dma_wait3A_311 = arith.constant 1 : i32
        %dma_wait3A_312 = arith.constant 0 : i32
        %dma_wait3A_313 = arith.constant 0 : i32
        %dma_wait3A_314 = tpu.memref_slice %arg6[%dma_wait3A_310, %dma_wait3A_312, %dma_wait3A_313] : memref<4x64x256xf32, #tpu.memory_space<vmem>> -> memref<1x64x256xf32, #tpu.memory_space<vmem>>
        %dma_wait3A_315 = tpu.memref_squeeze %dma_wait3A_314 : memref<1x64x256xf32, #tpu.memory_space<vmem>> -> memref<64x256xf32, #tpu.memory_space<vmem>>
        %dma_wait3A_316 = arith.constant 0 : i32
        %dma_wait3A_317 = tpu.memref_slice %arg4[%add3A, %mul3A_309, %dma_wait3A_316] : memref<32x1024x256xf32, #tpu.memory_space<hbm>> -> memref<1x64x256xf32, #tpu.memory_space<hbm>>
        %dma_wait3A_318 = tpu.memref_squeeze %dma_wait3A_317 : memref<1x64x256xf32, #tpu.memory_space<hbm>> -> memref<64x256xf32, #tpu.memory_space<hbm>>
        %dma_wait3A_319 = tpu.memref_slice %arg8[%dma_wait3A_311] : memref<4x!tpu.dma_semaphore, #tpu.memory_space<semaphore_mem>> -> memref<1x!tpu.dma_semaphore, #tpu.memory_space<semaphore_mem>>
        %dma_wait3A_320 = tpu.memref_squeeze %dma_wait3A_319 : memref<1x!tpu.dma_semaphore, #tpu.memory_space<semaphore_mem>> -> memref<!tpu.dma_semaphore, #tpu.memory_space<semaphore_mem>>
        %dma_wait3A_321 = arith.constant 0 : i32
        %dma_wait3A_322 = tpu.memref_slice %arg4[%add3A, %mul3A_309, %dma_wait3A_321] : memref<32x1024x256xf32, #tpu.memory_space<hbm>> -> memref<1x64x256xf32, #tpu.memory_space<hbm>>
        %dma_wait3A_323 = tpu.memref_squeeze %dma_wait3A_322 : memref<1x64x256xf32, #tpu.memory_space<hbm>> -> memref<64x256xf32, #tpu.memory_space<hbm>>
        %dma_wait3A_324 = arith.constant 0 : i32
        %dma_wait3A_325 = arith.constant 0 : i32
        %dma_wait3A_326 = tpu.memref_slice %arg6[%dma_wait3A_310, %dma_wait3A_324, %dma_wait3A_325] : memref<4x64x256xf32, #tpu.memory_space<vmem>> -> memref<1x64x256xf32, #tpu.memory_space<vmem>>
        %dma_wait3A_327 = tpu.memref_squeeze %dma_wait3A_326 : memref<1x64x256xf32, #tpu.memory_space<vmem>> -> memref<64x256xf32, #tpu.memory_space<vmem>>
        tpu.wait_dma2 semaphore(%dma_wait3A_320 : memref<!tpu.dma_semaphore, #tpu.memory_space<semaphore_mem>>) src(%dma_wait3A_327 : memref<64x256xf32, #tpu.memory_space<vmem>>) dst(%dma_wait3A_323 : memref<64x256xf32, #tpu.memory_space<hbm>>)
        %add3A_328 = arith.constant 4 : i32
        %add3A_329 = arith.addi %add3A_180, %add3A_328 : i32
        %mul3A_330 = arith.constant 64 : i32
        %mul3A_331 = arith.muli %add3A_329, %mul3A_330 : i32
        %dma_start3A_332 = arith.constant 1 : i32
        %dma_start3A_333 = arith.constant 1 : i32
        %dma_start3A_334 = arith.constant 0 : i32
        %dma_start3A_335 = arith.constant 0 : i32
        %dma_start3A_336 = tpu.memref_slice %arg6[%dma_start3A_332, %dma_start3A_334, %dma_start3A_335] : memref<4x64x256xf32, #tpu.memory_space<vmem>> -> memref<1x64x256xf32, #tpu.memory_space<vmem>>
        %dma_start3A_337 = tpu.memref_squeeze %dma_start3A_336 : memref<1x64x256xf32, #tpu.memory_space<vmem>> -> memref<64x256xf32, #tpu.memory_space<vmem>>
        %dma_start3A_338 = tpu.memref_slice %arg5[%mul3A_331] : memref<1024xi32, #tpu.memory_space<vmem>> -> memref<64xi32, #tpu.memory_space<vmem>>
        %dma_start3A_339 = arith.constant 0 : i32
        %dma_start3A_340 = arith.constant 0 : i32
        %dma_start3A_341 = tpu.memref_slice %arg3[%dma_start3A_339, %dma_start3A_340] : memref<4112x256xf32, #tpu.memory_space<hbm>> -> memref<4112x256xf32, #tpu.memory_space<hbm>>
        %dma_start3A_342 = tpu.memref_slice %arg7[%dma_start3A_333] : memref<4x!tpu.dma_semaphore, #tpu.memory_space<semaphore_mem>> -> memref<1x!tpu.dma_semaphore, #tpu.memory_space<semaphore_mem>>
        %dma_start3A_343 = tpu.memref_squeeze %dma_start3A_342 : memref<1x!tpu.dma_semaphore, #tpu.memory_space<semaphore_mem>> -> memref<!tpu.dma_semaphore, #tpu.memory_space<semaphore_mem>>
        tpu.enqueue_indirect_dma source(%dma_start3A_341 : memref<4112x256xf32, #tpu.memory_space<hbm>>) target(%dma_start3A_337 : memref<64x256xf32, #tpu.memory_space<vmem>>) offsets(%dma_start3A_338 : memref<64xi32, #tpu.memory_space<vmem>>) semaphore(%dma_start3A_343 : memref<!tpu.dma_semaphore, #tpu.memory_space<semaphore_mem>>)
      } else {
      }
      %add3A_222 = arith.constant 2 : i32
      %add3A_223 = arith.addi %mul3A_138, %add3A_222 : i32
      %mul3A_224 = arith.constant 64 : i32
      %mul3A_225 = arith.muli %add3A_223, %mul3A_224 : i32
      %dma_wait3A_226 = arith.constant 2 : i32
      %dma_wait3A_227 = arith.constant 2 : i32
      %dma_wait3A_228 = arith.constant 0 : i32
      %dma_wait3A_229 = arith.constant 0 : i32
      %dma_wait3A_230 = tpu.memref_slice %arg6[%dma_wait3A_226, %dma_wait3A_228, %dma_wait3A_229] : memref<4x64x256xf32, #tpu.memory_space<vmem>> -> memref<1x64x256xf32, #tpu.memory_space<vmem>>
      %dma_wait3A_231 = tpu.memref_squeeze %dma_wait3A_230 : memref<1x64x256xf32, #tpu.memory_space<vmem>> -> memref<64x256xf32, #tpu.memory_space<vmem>>
      %dma_wait3A_232 = tpu.memref_slice %arg5[%mul3A_225] : memref<1024xi32, #tpu.memory_space<vmem>> -> memref<64xi32, #tpu.memory_space<vmem>>
      %dma_wait3A_233 = arith.constant 0 : i32
      %dma_wait3A_234 = arith.constant 0 : i32
      %dma_wait3A_235 = tpu.memref_slice %arg3[%dma_wait3A_233, %dma_wait3A_234] : memref<4112x256xf32, #tpu.memory_space<hbm>> -> memref<4112x256xf32, #tpu.memory_space<hbm>>
      %dma_wait3A_236 = tpu.memref_slice %arg7[%dma_wait3A_227] : memref<4x!tpu.dma_semaphore, #tpu.memory_space<semaphore_mem>> -> memref<1x!tpu.dma_semaphore, #tpu.memory_space<semaphore_mem>>
      %dma_wait3A_237 = tpu.memref_squeeze %dma_wait3A_236 : memref<1x!tpu.dma_semaphore, #tpu.memory_space<semaphore_mem>> -> memref<!tpu.dma_semaphore, #tpu.memory_space<semaphore_mem>>
      tpu.wait_indirect_dma semaphore(%dma_wait3A_237 : memref<!tpu.dma_semaphore, #tpu.memory_space<semaphore_mem>>) src(%dma_wait3A_235 : memref<4112x256xf32, #tpu.memory_space<hbm>>) dst(%dma_wait3A_231 : memref<64x256xf32, #tpu.memory_space<vmem>>)
      %mul3A_238 = arith.constant 64 : i32
      %mul3A_239 = arith.muli %add3A_223, %mul3A_238 : i32
      %dma_start3A_240 = arith.constant 2 : i32
      %dma_start3A_241 = arith.constant 2 : i32
      %dma_start3A_242 = arith.constant 0 : i32
      %dma_start3A_243 = arith.constant 0 : i32
      %dma_start3A_244 = tpu.memref_slice %arg6[%dma_start3A_240, %dma_start3A_242, %dma_start3A_243] : memref<4x64x256xf32, #tpu.memory_space<vmem>> -> memref<1x64x256xf32, #tpu.memory_space<vmem>>
      %dma_start3A_245 = tpu.memref_squeeze %dma_start3A_244 : memref<1x64x256xf32, #tpu.memory_space<vmem>> -> memref<64x256xf32, #tpu.memory_space<vmem>>
      %dma_start3A_246 = arith.constant 0 : i32
      %dma_start3A_247 = tpu.memref_slice %arg4[%add3A, %mul3A_239, %dma_start3A_246] : memref<32x1024x256xf32, #tpu.memory_space<hbm>> -> memref<1x64x256xf32, #tpu.memory_space<hbm>>
      %dma_start3A_248 = tpu.memref_squeeze %dma_start3A_247 : memref<1x64x256xf32, #tpu.memory_space<hbm>> -> memref<64x256xf32, #tpu.memory_space<hbm>>
      %dma_start3A_249 = tpu.memref_slice %arg8[%dma_start3A_241] : memref<4x!tpu.dma_semaphore, #tpu.memory_space<semaphore_mem>> -> memref<1x!tpu.dma_semaphore, #tpu.memory_space<semaphore_mem>>
      %dma_start3A_250 = tpu.memref_squeeze %dma_start3A_249 : memref<1x!tpu.dma_semaphore, #tpu.memory_space<semaphore_mem>> -> memref<!tpu.dma_semaphore, #tpu.memory_space<semaphore_mem>>
      %dma_start3A_251 = arith.constant 0 : i32
      %dma_start3A_252 = tpu.memref_slice %arg4[%add3A, %mul3A_239, %dma_start3A_251] : memref<32x1024x256xf32, #tpu.memory_space<hbm>> -> memref<1x64x256xf32, #tpu.memory_space<hbm>>
      %dma_start3A_253 = tpu.memref_squeeze %dma_start3A_252 : memref<1x64x256xf32, #tpu.memory_space<hbm>> -> memref<64x256xf32, #tpu.memory_space<hbm>>
      %dma_start3A_254 = arith.constant 0 : i32
      %dma_start3A_255 = arith.constant 0 : i32
      %dma_start3A_256 = tpu.memref_slice %arg6[%dma_start3A_240, %dma_start3A_254, %dma_start3A_255] : memref<4x64x256xf32, #tpu.memory_space<vmem>> -> memref<1x64x256xf32, #tpu.memory_space<vmem>>
      %dma_start3A_257 = tpu.memref_squeeze %dma_start3A_256 : memref<1x64x256xf32, #tpu.memory_space<vmem>> -> memref<64x256xf32, #tpu.memory_space<vmem>>
      tpu.enqueue_dma source(%dma_start3A_257 : memref<64x256xf32, #tpu.memory_space<vmem>>) target(%dma_start3A_253 : memref<64x256xf32, #tpu.memory_space<hbm>>) target_semaphore(%dma_start3A_250 : memref<!tpu.dma_semaphore, #tpu.memory_space<semaphore_mem>>)
      %add3A_258 = arith.constant 4 : i32
      %add3A_259 = arith.addi %add3A_223, %add3A_258 : i32
      %lt3A_260 = arith.constant 16 : i32
      %lt3A_261 = arith.cmpi slt, %add3A_259, %lt3A_260 : i32
      %convert_element_type3A_262 = arith.extui %lt3A_261 : i1 to i32
      %cond3A_263 = arith.constant 0 : i32
      %cond3A_264 = arith.cmpi ne, %convert_element_type3A_262, %cond3A_263 : i32
      scf.if %cond3A_264 {
        %mul3A_308 = arith.constant 64 : i32
        %mul3A_309 = arith.muli %add3A_223, %mul3A_308 : i32
        %dma_wait3A_310 = arith.constant 2 : i32
        %dma_wait3A_311 = arith.constant 2 : i32
        %dma_wait3A_312 = arith.constant 0 : i32
        %dma_wait3A_313 = arith.constant 0 : i32
        %dma_wait3A_314 = tpu.memref_slice %arg6[%dma_wait3A_310, %dma_wait3A_312, %dma_wait3A_313] : memref<4x64x256xf32, #tpu.memory_space<vmem>> -> memref<1x64x256xf32, #tpu.memory_space<vmem>>
        %dma_wait3A_315 = tpu.memref_squeeze %dma_wait3A_314 : memref<1x64x256xf32, #tpu.memory_space<vmem>> -> memref<64x256xf32, #tpu.memory_space<vmem>>
        %dma_wait3A_316 = arith.constant 0 : i32
        %dma_wait3A_317 = tpu.memref_slice %arg4[%add3A, %mul3A_309, %dma_wait3A_316] : memref<32x1024x256xf32, #tpu.memory_space<hbm>> -> memref<1x64x256xf32, #tpu.memory_space<hbm>>
        %dma_wait3A_318 = tpu.memref_squeeze %dma_wait3A_317 : memref<1x64x256xf32, #tpu.memory_space<hbm>> -> memref<64x256xf32, #tpu.memory_space<hbm>>
        %dma_wait3A_319 = tpu.memref_slice %arg8[%dma_wait3A_311] : memref<4x!tpu.dma_semaphore, #tpu.memory_space<semaphore_mem>> -> memref<1x!tpu.dma_semaphore, #tpu.memory_space<semaphore_mem>>
        %dma_wait3A_320 = tpu.memref_squeeze %dma_wait3A_319 : memref<1x!tpu.dma_semaphore, #tpu.memory_space<semaphore_mem>> -> memref<!tpu.dma_semaphore, #tpu.memory_space<semaphore_mem>>
        %dma_wait3A_321 = arith.constant 0 : i32
        %dma_wait3A_322 = tpu.memref_slice %arg4[%add3A, %mul3A_309, %dma_wait3A_321] : memref<32x1024x256xf32, #tpu.memory_space<hbm>> -> memref<1x64x256xf32, #tpu.memory_space<hbm>>
        %dma_wait3A_323 = tpu.memref_squeeze %dma_wait3A_322 : memref<1x64x256xf32, #tpu.memory_space<hbm>> -> memref<64x256xf32, #tpu.memory_space<hbm>>
        %dma_wait3A_324 = arith.constant 0 : i32
        %dma_wait3A_325 = arith.constant 0 : i32
        %dma_wait3A_326 = tpu.memref_slice %arg6[%dma_wait3A_310, %dma_wait3A_324, %dma_wait3A_325] : memref<4x64x256xf32, #tpu.memory_space<vmem>> -> memref<1x64x256xf32, #tpu.memory_space<vmem>>
        %dma_wait3A_327 = tpu.memref_squeeze %dma_wait3A_326 : memref<1x64x256xf32, #tpu.memory_space<vmem>> -> memref<64x256xf32, #tpu.memory_space<vmem>>
        tpu.wait_dma2 semaphore(%dma_wait3A_320 : memref<!tpu.dma_semaphore, #tpu.memory_space<semaphore_mem>>) src(%dma_wait3A_327 : memref<64x256xf32, #tpu.memory_space<vmem>>) dst(%dma_wait3A_323 : memref<64x256xf32, #tpu.memory_space<hbm>>)
        %add3A_328 = arith.constant 4 : i32
        %add3A_329 = arith.addi %add3A_223, %add3A_328 : i32
        %mul3A_330 = arith.constant 64 : i32
        %mul3A_331 = arith.muli %add3A_329, %mul3A_330 : i32
        %dma_start3A_332 = arith.constant 2 : i32
        %dma_start3A_333 = arith.constant 2 : i32
        %dma_start3A_334 = arith.constant 0 : i32
        %dma_start3A_335 = arith.constant 0 : i32
        %dma_start3A_336 = tpu.memref_slice %arg6[%dma_start3A_332, %dma_start3A_334, %dma_start3A_335] : memref<4x64x256xf32, #tpu.memory_space<vmem>> -> memref<1x64x256xf32, #tpu.memory_space<vmem>>
        %dma_start3A_337 = tpu.memref_squeeze %dma_start3A_336 : memref<1x64x256xf32, #tpu.memory_space<vmem>> -> memref<64x256xf32, #tpu.memory_space<vmem>>
        %dma_start3A_338 = tpu.memref_slice %arg5[%mul3A_331] : memref<1024xi32, #tpu.memory_space<vmem>> -> memref<64xi32, #tpu.memory_space<vmem>>
        %dma_start3A_339 = arith.constant 0 : i32
        %dma_start3A_340 = arith.constant 0 : i32
        %dma_start3A_341 = tpu.memref_slice %arg3[%dma_start3A_339, %dma_start3A_340] : memref<4112x256xf32, #tpu.memory_space<hbm>> -> memref<4112x256xf32, #tpu.memory_space<hbm>>
        %dma_start3A_342 = tpu.memref_slice %arg7[%dma_start3A_333] : memref<4x!tpu.dma_semaphore, #tpu.memory_space<semaphore_mem>> -> memref<1x!tpu.dma_semaphore, #tpu.memory_space<semaphore_mem>>
        %dma_start3A_343 = tpu.memref_squeeze %dma_start3A_342 : memref<1x!tpu.dma_semaphore, #tpu.memory_space<semaphore_mem>> -> memref<!tpu.dma_semaphore, #tpu.memory_space<semaphore_mem>>
        tpu.enqueue_indirect_dma source(%dma_start3A_341 : memref<4112x256xf32, #tpu.memory_space<hbm>>) target(%dma_start3A_337 : memref<64x256xf32, #tpu.memory_space<vmem>>) offsets(%dma_start3A_338 : memref<64xi32, #tpu.memory_space<vmem>>) semaphore(%dma_start3A_343 : memref<!tpu.dma_semaphore, #tpu.memory_space<semaphore_mem>>)
      } else {
      }
      %add3A_265 = arith.constant 3 : i32
      %add3A_266 = arith.addi %mul3A_138, %add3A_265 : i32
      %mul3A_267 = arith.constant 64 : i32
      %mul3A_268 = arith.muli %add3A_266, %mul3A_267 : i32
      %dma_wait3A_269 = arith.constant 3 : i32
      %dma_wait3A_270 = arith.constant 3 : i32
      %dma_wait3A_271 = arith.constant 0 : i32
      %dma_wait3A_272 = arith.constant 0 : i32
      %dma_wait3A_273 = tpu.memref_slice %arg6[%dma_wait3A_269, %dma_wait3A_271, %dma_wait3A_272] : memref<4x64x256xf32, #tpu.memory_space<vmem>> -> memref<1x64x256xf32, #tpu.memory_space<vmem>>
      %dma_wait3A_274 = tpu.memref_squeeze %dma_wait3A_273 : memref<1x64x256xf32, #tpu.memory_space<vmem>> -> memref<64x256xf32, #tpu.memory_space<vmem>>
      %dma_wait3A_275 = tpu.memref_slice %arg5[%mul3A_268] : memref<1024xi32, #tpu.memory_space<vmem>> -> memref<64xi32, #tpu.memory_space<vmem>>
      %dma_wait3A_276 = arith.constant 0 : i32
      %dma_wait3A_277 = arith.constant 0 : i32
      %dma_wait3A_278 = tpu.memref_slice %arg3[%dma_wait3A_276, %dma_wait3A_277] : memref<4112x256xf32, #tpu.memory_space<hbm>> -> memref<4112x256xf32, #tpu.memory_space<hbm>>
      %dma_wait3A_279 = tpu.memref_slice %arg7[%dma_wait3A_270] : memref<4x!tpu.dma_semaphore, #tpu.memory_space<semaphore_mem>> -> memref<1x!tpu.dma_semaphore, #tpu.memory_space<semaphore_mem>>
      %dma_wait3A_280 = tpu.memref_squeeze %dma_wait3A_279 : memref<1x!tpu.dma_semaphore, #tpu.memory_space<semaphore_mem>> -> memref<!tpu.dma_semaphore, #tpu.memory_space<semaphore_mem>>
      tpu.wait_indirect_dma semaphore(%dma_wait3A_280 : memref<!tpu.dma_semaphore, #tpu.memory_space<semaphore_mem>>) src(%dma_wait3A_278 : memref<4112x256xf32, #tpu.memory_space<hbm>>) dst(%dma_wait3A_274 : memref<64x256xf32, #tpu.memory_space<vmem>>)
      %mul3A_281 = arith.constant 64 : i32
      %mul3A_282 = arith.muli %add3A_266, %mul3A_281 : i32
      %dma_start3A_283 = arith.constant 3 : i32
      %dma_start3A_284 = arith.constant 3 : i32
      %dma_start3A_285 = arith.constant 0 : i32
      %dma_start3A_286 = arith.constant 0 : i32
      %dma_start3A_287 = tpu.memref_slice %arg6[%dma_start3A_283, %dma_start3A_285, %dma_start3A_286] : memref<4x64x256xf32, #tpu.memory_space<vmem>> -> memref<1x64x256xf32, #tpu.memory_space<vmem>>
      %dma_start3A_288 = tpu.memref_squeeze %dma_start3A_287 : memref<1x64x256xf32, #tpu.memory_space<vmem>> -> memref<64x256xf32, #tpu.memory_space<vmem>>
      %dma_start3A_289 = arith.constant 0 : i32
      %dma_start3A_290 = tpu.memref_slice %arg4[%add3A, %mul3A_282, %dma_start3A_289] : memref<32x1024x256xf32, #tpu.memory_space<hbm>> -> memref<1x64x256xf32, #tpu.memory_space<hbm>>
      %dma_start3A_291 = tpu.memref_squeeze %dma_start3A_290 : memref<1x64x256xf32, #tpu.memory_space<hbm>> -> memref<64x256xf32, #tpu.memory_space<hbm>>
      %dma_start3A_292 = tpu.memref_slice %arg8[%dma_start3A_284] : memref<4x!tpu.dma_semaphore, #tpu.memory_space<semaphore_mem>> -> memref<1x!tpu.dma_semaphore, #tpu.memory_space<semaphore_mem>>
      %dma_start3A_293 = tpu.memref_squeeze %dma_start3A_292 : memref<1x!tpu.dma_semaphore, #tpu.memory_space<semaphore_mem>> -> memref<!tpu.dma_semaphore, #tpu.memory_space<semaphore_mem>>
      %dma_start3A_294 = arith.constant 0 : i32
      %dma_start3A_295 = tpu.memref_slice %arg4[%add3A, %mul3A_282, %dma_start3A_294] : memref<32x1024x256xf32, #tpu.memory_space<hbm>> -> memref<1x64x256xf32, #tpu.memory_space<hbm>>
      %dma_start3A_296 = tpu.memref_squeeze %dma_start3A_295 : memref<1x64x256xf32, #tpu.memory_space<hbm>> -> memref<64x256xf32, #tpu.memory_space<hbm>>
      %dma_start3A_297 = arith.constant 0 : i32
      %dma_start3A_298 = arith.constant 0 : i32
      %dma_start3A_299 = tpu.memref_slice %arg6[%dma_start3A_283, %dma_start3A_297, %dma_start3A_298] : memref<4x64x256xf32, #tpu.memory_space<vmem>> -> memref<1x64x256xf32, #tpu.memory_space<vmem>>
      %dma_start3A_300 = tpu.memref_squeeze %dma_start3A_299 : memref<1x64x256xf32, #tpu.memory_space<vmem>> -> memref<64x256xf32, #tpu.memory_space<vmem>>
      tpu.enqueue_dma source(%dma_start3A_300 : memref<64x256xf32, #tpu.memory_space<vmem>>) target(%dma_start3A_296 : memref<64x256xf32, #tpu.memory_space<hbm>>) target_semaphore(%dma_start3A_293 : memref<!tpu.dma_semaphore, #tpu.memory_space<semaphore_mem>>)
      %add3A_301 = arith.constant 4 : i32
      %add3A_302 = arith.addi %add3A_266, %add3A_301 : i32
      %lt3A_303 = arith.constant 16 : i32
      %lt3A_304 = arith.cmpi slt, %add3A_302, %lt3A_303 : i32
      %convert_element_type3A_305 = arith.extui %lt3A_304 : i1 to i32
      %cond3A_306 = arith.constant 0 : i32
      %cond3A_307 = arith.cmpi ne, %convert_element_type3A_305, %cond3A_306 : i32
      scf.if %cond3A_307 {
        %mul3A_308 = arith.constant 64 : i32
        %mul3A_309 = arith.muli %add3A_266, %mul3A_308 : i32
        %dma_wait3A_310 = arith.constant 3 : i32
        %dma_wait3A_311 = arith.constant 3 : i32
        %dma_wait3A_312 = arith.constant 0 : i32
        %dma_wait3A_313 = arith.constant 0 : i32
        %dma_wait3A_314 = tpu.memref_slice %arg6[%dma_wait3A_310, %dma_wait3A_312, %dma_wait3A_313] : memref<4x64x256xf32, #tpu.memory_space<vmem>> -> memref<1x64x256xf32, #tpu.memory_space<vmem>>
        %dma_wait3A_315 = tpu.memref_squeeze %dma_wait3A_314 : memref<1x64x256xf32, #tpu.memory_space<vmem>> -> memref<64x256xf32, #tpu.memory_space<vmem>>
        %dma_wait3A_316 = arith.constant 0 : i32
        %dma_wait3A_317 = tpu.memref_slice %arg4[%add3A, %mul3A_309, %dma_wait3A_316] : memref<32x1024x256xf32, #tpu.memory_space<hbm>> -> memref<1x64x256xf32, #tpu.memory_space<hbm>>
        %dma_wait3A_318 = tpu.memref_squeeze %dma_wait3A_317 : memref<1x64x256xf32, #tpu.memory_space<hbm>> -> memref<64x256xf32, #tpu.memory_space<hbm>>
        %dma_wait3A_319 = tpu.memref_slice %arg8[%dma_wait3A_311] : memref<4x!tpu.dma_semaphore, #tpu.memory_space<semaphore_mem>> -> memref<1x!tpu.dma_semaphore, #tpu.memory_space<semaphore_mem>>
        %dma_wait3A_320 = tpu.memref_squeeze %dma_wait3A_319 : memref<1x!tpu.dma_semaphore, #tpu.memory_space<semaphore_mem>> -> memref<!tpu.dma_semaphore, #tpu.memory_space<semaphore_mem>>
        %dma_wait3A_321 = arith.constant 0 : i32
        %dma_wait3A_322 = tpu.memref_slice %arg4[%add3A, %mul3A_309, %dma_wait3A_321] : memref<32x1024x256xf32, #tpu.memory_space<hbm>> -> memref<1x64x256xf32, #tpu.memory_space<hbm>>
        %dma_wait3A_323 = tpu.memref_squeeze %dma_wait3A_322 : memref<1x64x256xf32, #tpu.memory_space<hbm>> -> memref<64x256xf32, #tpu.memory_space<hbm>>
        %dma_wait3A_324 = arith.constant 0 : i32
        %dma_wait3A_325 = arith.constant 0 : i32
        %dma_wait3A_326 = tpu.memref_slice %arg6[%dma_wait3A_310, %dma_wait3A_324, %dma_wait3A_325] : memref<4x64x256xf32, #tpu.memory_space<vmem>> -> memref<1x64x256xf32, #tpu.memory_space<vmem>>
        %dma_wait3A_327 = tpu.memref_squeeze %dma_wait3A_326 : memref<1x64x256xf32, #tpu.memory_space<vmem>> -> memref<64x256xf32, #tpu.memory_space<vmem>>
        tpu.wait_dma2 semaphore(%dma_wait3A_320 : memref<!tpu.dma_semaphore, #tpu.memory_space<semaphore_mem>>) src(%dma_wait3A_327 : memref<64x256xf32, #tpu.memory_space<vmem>>) dst(%dma_wait3A_323 : memref<64x256xf32, #tpu.memory_space<hbm>>)
        %add3A_328 = arith.constant 4 : i32
        %add3A_329 = arith.addi %add3A_266, %add3A_328 : i32
        %mul3A_330 = arith.constant 64 : i32
        %mul3A_331 = arith.muli %add3A_329, %mul3A_330 : i32
        %dma_start3A_332 = arith.constant 3 : i32
        %dma_start3A_333 = arith.constant 3 : i32
        %dma_start3A_334 = arith.constant 0 : i32
        %dma_start3A_335 = arith.constant 0 : i32
        %dma_start3A_336 = tpu.memref_slice %arg6[%dma_start3A_332, %dma_start3A_334, %dma_start3A_335] : memref<4x64x256xf32, #tpu.memory_space<vmem>> -> memref<1x64x256xf32, #tpu.memory_space<vmem>>
        %dma_start3A_337 = tpu.memref_squeeze %dma_start3A_336 : memref<1x64x256xf32, #tpu.memory_space<vmem>> -> memref<64x256xf32, #tpu.memory_space<vmem>>
        %dma_start3A_338 = tpu.memref_slice %arg5[%mul3A_331] : memref<1024xi32, #tpu.memory_space<vmem>> -> memref<64xi32, #tpu.memory_space<vmem>>
        %dma_start3A_339 = arith.constant 0 : i32
        %dma_start3A_340 = arith.constant 0 : i32
        %dma_start3A_341 = tpu.memref_slice %arg3[%dma_start3A_339, %dma_start3A_340] : memref<4112x256xf32, #tpu.memory_space<hbm>> -> memref<4112x256xf32, #tpu.memory_space<hbm>>
        %dma_start3A_342 = tpu.memref_slice %arg7[%dma_start3A_333] : memref<4x!tpu.dma_semaphore, #tpu.memory_space<semaphore_mem>> -> memref<1x!tpu.dma_semaphore, #tpu.memory_space<semaphore_mem>>
        %dma_start3A_343 = tpu.memref_squeeze %dma_start3A_342 : memref<1x!tpu.dma_semaphore, #tpu.memory_space<semaphore_mem>> -> memref<!tpu.dma_semaphore, #tpu.memory_space<semaphore_mem>>
        tpu.enqueue_indirect_dma source(%dma_start3A_341 : memref<4112x256xf32, #tpu.memory_space<hbm>>) target(%dma_start3A_337 : memref<64x256xf32, #tpu.memory_space<vmem>>) offsets(%dma_start3A_338 : memref<64xi32, #tpu.memory_space<vmem>>) semaphore(%dma_start3A_343 : memref<!tpu.dma_semaphore, #tpu.memory_space<semaphore_mem>>)
      } else {
      }
    }
    %scan3A_56 = arith.constant 4 : i32
    %dma_wait3A = arith.constant 0 : i32
    %dma_wait3A_57 = arith.constant 0 : i32
    %dma_wait3A_58 = arith.constant 0 : i32
    %dma_wait3A_59 = arith.constant 0 : i32
    %dma_wait3A_60 = tpu.memref_slice %arg6[%dma_wait3A, %dma_wait3A_58, %dma_wait3A_59] : memref<4x64x256xf32, #tpu.memory_space<vmem>> -> memref<1x64x256xf32, #tpu.memory_space<vmem>>
    %dma_wait3A_61 = tpu.memref_squeeze %dma_wait3A_60 : memref<1x64x256xf32, #tpu.memory_space<vmem>> -> memref<64x256xf32, #tpu.memory_space<vmem>>
    %dma_wait3A_62 = arith.constant 768 : i32
    %dma_wait3A_63 = arith.constant 0 : i32
    %dma_wait3A_64 = tpu.memref_slice %arg4[%add3A, %dma_wait3A_62, %dma_wait3A_63] : memref<32x1024x256xf32, #tpu.memory_space<hbm>> -> memref<1x64x256xf32, #tpu.memory_space<hbm>>
    %dma_wait3A_65 = tpu.memref_squeeze %dma_wait3A_64 : memref<1x64x256xf32, #tpu.memory_space<hbm>> -> memref<64x256xf32, #tpu.memory_space<hbm>>
    %dma_wait3A_66 = tpu.memref_slice %arg8[%dma_wait3A_57] : memref<4x!tpu.dma_semaphore, #tpu.memory_space<semaphore_mem>> -> memref<1x!tpu.dma_semaphore, #tpu.memory_space<semaphore_mem>>
    %dma_wait3A_67 = tpu.memref_squeeze %dma_wait3A_66 : memref<1x!tpu.dma_semaphore, #tpu.memory_space<semaphore_mem>> -> memref<!tpu.dma_semaphore, #tpu.memory_space<semaphore_mem>>
    %dma_wait3A_68 = arith.constant 768 : i32
    %dma_wait3A_69 = arith.constant 0 : i32
    %dma_wait3A_70 = tpu.memref_slice %arg4[%add3A, %dma_wait3A_68, %dma_wait3A_69] : memref<32x1024x256xf32, #tpu.memory_space<hbm>> -> memref<1x64x256xf32, #tpu.memory_space<hbm>>
    %dma_wait3A_71 = tpu.memref_squeeze %dma_wait3A_70 : memref<1x64x256xf32, #tpu.memory_space<hbm>> -> memref<64x256xf32, #tpu.memory_space<hbm>>
    %dma_wait3A_72 = arith.constant 0 : i32
    %dma_wait3A_73 = arith.constant 0 : i32
    %dma_wait3A_74 = tpu.memref_slice %arg6[%dma_wait3A, %dma_wait3A_72, %dma_wait3A_73] : memref<4x64x256xf32, #tpu.memory_space<vmem>> -> memref<1x64x256xf32, #tpu.memory_space<vmem>>
    %dma_wait3A_75 = tpu.memref_squeeze %dma_wait3A_74 : memref<1x64x256xf32, #tpu.memory_space<vmem>> -> memref<64x256xf32, #tpu.memory_space<vmem>>
    tpu.wait_dma2 semaphore(%dma_wait3A_67 : memref<!tpu.dma_semaphore, #tpu.memory_space<semaphore_mem>>) src(%dma_wait3A_75 : memref<64x256xf32, #tpu.memory_space<vmem>>) dst(%dma_wait3A_71 : memref<64x256xf32, #tpu.memory_space<hbm>>)
    %dma_wait3A_76 = arith.constant 1 : i32
    %dma_wait3A_77 = arith.constant 1 : i32
    %dma_wait3A_78 = arith.constant 0 : i32
    %dma_wait3A_79 = arith.constant 0 : i32
    %dma_wait3A_80 = tpu.memref_slice %arg6[%dma_wait3A_76, %dma_wait3A_78, %dma_wait3A_79] : memref<4x64x256xf32, #tpu.memory_space<vmem>> -> memref<1x64x256xf32, #tpu.memory_space<vmem>>
    %dma_wait3A_81 = tpu.memref_squeeze %dma_wait3A_80 : memref<1x64x256xf32, #tpu.memory_space<vmem>> -> memref<64x256xf32, #tpu.memory_space<vmem>>
    %dma_wait3A_82 = arith.constant 832 : i32
    %dma_wait3A_83 = arith.constant 0 : i32
    %dma_wait3A_84 = tpu.memref_slice %arg4[%add3A, %dma_wait3A_82, %dma_wait3A_83] : memref<32x1024x256xf32, #tpu.memory_space<hbm>> -> memref<1x64x256xf32, #tpu.memory_space<hbm>>
    %dma_wait3A_85 = tpu.memref_squeeze %dma_wait3A_84 : memref<1x64x256xf32, #tpu.memory_space<hbm>> -> memref<64x256xf32, #tpu.memory_space<hbm>>
    %dma_wait3A_86 = tpu.memref_slice %arg8[%dma_wait3A_77] : memref<4x!tpu.dma_semaphore, #tpu.memory_space<semaphore_mem>> -> memref<1x!tpu.dma_semaphore, #tpu.memory_space<semaphore_mem>>
    %dma_wait3A_87 = tpu.memref_squeeze %dma_wait3A_86 : memref<1x!tpu.dma_semaphore, #tpu.memory_space<semaphore_mem>> -> memref<!tpu.dma_semaphore, #tpu.memory_space<semaphore_mem>>
    %dma_wait3A_88 = arith.constant 832 : i32
    %dma_wait3A_89 = arith.constant 0 : i32
    %dma_wait3A_90 = tpu.memref_slice %arg4[%add3A, %dma_wait3A_88, %dma_wait3A_89] : memref<32x1024x256xf32, #tpu.memory_space<hbm>> -> memref<1x64x256xf32, #tpu.memory_space<hbm>>
    %dma_wait3A_91 = tpu.memref_squeeze %dma_wait3A_90 : memref<1x64x256xf32, #tpu.memory_space<hbm>> -> memref<64x256xf32, #tpu.memory_space<hbm>>
    %dma_wait3A_92 = arith.constant 0 : i32
    %dma_wait3A_93 = arith.constant 0 : i32
    %dma_wait3A_94 = tpu.memref_slice %arg6[%dma_wait3A_76, %dma_wait3A_92, %dma_wait3A_93] : memref<4x64x256xf32, #tpu.memory_space<vmem>> -> memref<1x64x256xf32, #tpu.memory_space<vmem>>
    %dma_wait3A_95 = tpu.memref_squeeze %dma_wait3A_94 : memref<1x64x256xf32, #tpu.memory_space<vmem>> -> memref<64x256xf32, #tpu.memory_space<vmem>>
    tpu.wait_dma2 semaphore(%dma_wait3A_87 : memref<!tpu.dma_semaphore, #tpu.memory_space<semaphore_mem>>) src(%dma_wait3A_95 : memref<64x256xf32, #tpu.memory_space<vmem>>) dst(%dma_wait3A_91 : memref<64x256xf32, #tpu.memory_space<hbm>>)
    %dma_wait3A_96 = arith.constant 2 : i32
    %dma_wait3A_97 = arith.constant 2 : i32
    %dma_wait3A_98 = arith.constant 0 : i32
    %dma_wait3A_99 = arith.constant 0 : i32
    %dma_wait3A_100 = tpu.memref_slice %arg6[%dma_wait3A_96, %dma_wait3A_98, %dma_wait3A_99] : memref<4x64x256xf32, #tpu.memory_space<vmem>> -> memref<1x64x256xf32, #tpu.memory_space<vmem>>
    %dma_wait3A_101 = tpu.memref_squeeze %dma_wait3A_100 : memref<1x64x256xf32, #tpu.memory_space<vmem>> -> memref<64x256xf32, #tpu.memory_space<vmem>>
    %dma_wait3A_102 = arith.constant 896 : i32
    %dma_wait3A_103 = arith.constant 0 : i32
    %dma_wait3A_104 = tpu.memref_slice %arg4[%add3A, %dma_wait3A_102, %dma_wait3A_103] : memref<32x1024x256xf32, #tpu.memory_space<hbm>> -> memref<1x64x256xf32, #tpu.memory_space<hbm>>
    %dma_wait3A_105 = tpu.memref_squeeze %dma_wait3A_104 : memref<1x64x256xf32, #tpu.memory_space<hbm>> -> memref<64x256xf32, #tpu.memory_space<hbm>>
    %dma_wait3A_106 = tpu.memref_slice %arg8[%dma_wait3A_97] : memref<4x!tpu.dma_semaphore, #tpu.memory_space<semaphore_mem>> -> memref<1x!tpu.dma_semaphore, #tpu.memory_space<semaphore_mem>>
    %dma_wait3A_107 = tpu.memref_squeeze %dma_wait3A_106 : memref<1x!tpu.dma_semaphore, #tpu.memory_space<semaphore_mem>> -> memref<!tpu.dma_semaphore, #tpu.memory_space<semaphore_mem>>
    %dma_wait3A_108 = arith.constant 896 : i32
    %dma_wait3A_109 = arith.constant 0 : i32
    %dma_wait3A_110 = tpu.memref_slice %arg4[%add3A, %dma_wait3A_108, %dma_wait3A_109] : memref<32x1024x256xf32, #tpu.memory_space<hbm>> -> memref<1x64x256xf32, #tpu.memory_space<hbm>>
    %dma_wait3A_111 = tpu.memref_squeeze %dma_wait3A_110 : memref<1x64x256xf32, #tpu.memory_space<hbm>> -> memref<64x256xf32, #tpu.memory_space<hbm>>
    %dma_wait3A_112 = arith.constant 0 : i32
    %dma_wait3A_113 = arith.constant 0 : i32
    %dma_wait3A_114 = tpu.memref_slice %arg6[%dma_wait3A_96, %dma_wait3A_112, %dma_wait3A_113] : memref<4x64x256xf32, #tpu.memory_space<vmem>> -> memref<1x64x256xf32, #tpu.memory_space<vmem>>
    %dma_wait3A_115 = tpu.memref_squeeze %dma_wait3A_114 : memref<1x64x256xf32, #tpu.memory_space<vmem>> -> memref<64x256xf32, #tpu.memory_space<vmem>>
    tpu.wait_dma2 semaphore(%dma_wait3A_107 : memref<!tpu.dma_semaphore, #tpu.memory_space<semaphore_mem>>) src(%dma_wait3A_115 : memref<64x256xf32, #tpu.memory_space<vmem>>) dst(%dma_wait3A_111 : memref<64x256xf32, #tpu.memory_space<hbm>>)
    %dma_wait3A_116 = arith.constant 3 : i32
    %dma_wait3A_117 = arith.constant 3 : i32
    %dma_wait3A_118 = arith.constant 0 : i32
    %dma_wait3A_119 = arith.constant 0 : i32
    %dma_wait3A_120 = tpu.memref_slice %arg6[%dma_wait3A_116, %dma_wait3A_118, %dma_wait3A_119] : memref<4x64x256xf32, #tpu.memory_space<vmem>> -> memref<1x64x256xf32, #tpu.memory_space<vmem>>
    %dma_wait3A_121 = tpu.memref_squeeze %dma_wait3A_120 : memref<1x64x256xf32, #tpu.memory_space<vmem>> -> memref<64x256xf32, #tpu.memory_space<vmem>>
    %dma_wait3A_122 = arith.constant 960 : i32
    %dma_wait3A_123 = arith.constant 0 : i32
    %dma_wait3A_124 = tpu.memref_slice %arg4[%add3A, %dma_wait3A_122, %dma_wait3A_123] : memref<32x1024x256xf32, #tpu.memory_space<hbm>> -> memref<1x64x256xf32, #tpu.memory_space<hbm>>
    %dma_wait3A_125 = tpu.memref_squeeze %dma_wait3A_124 : memref<1x64x256xf32, #tpu.memory_space<hbm>> -> memref<64x256xf32, #tpu.memory_space<hbm>>
    %dma_wait3A_126 = tpu.memref_slice %arg8[%dma_wait3A_117] : memref<4x!tpu.dma_semaphore, #tpu.memory_space<semaphore_mem>> -> memref<1x!tpu.dma_semaphore, #tpu.memory_space<semaphore_mem>>
    %dma_wait3A_127 = tpu.memref_squeeze %dma_wait3A_126 : memref<1x!tpu.dma_semaphore, #tpu.memory_space<semaphore_mem>> -> memref<!tpu.dma_semaphore, #tpu.memory_space<semaphore_mem>>
    %dma_wait3A_128 = arith.constant 960 : i32
    %dma_wait3A_129 = arith.constant 0 : i32
    %dma_wait3A_130 = tpu.memref_slice %arg4[%add3A, %dma_wait3A_128, %dma_wait3A_129] : memref<32x1024x256xf32, #tpu.memory_space<hbm>> -> memref<1x64x256xf32, #tpu.memory_space<hbm>>
    %dma_wait3A_131 = tpu.memref_squeeze %dma_wait3A_130 : memref<1x64x256xf32, #tpu.memory_space<hbm>> -> memref<64x256xf32, #tpu.memory_space<hbm>>
    %dma_wait3A_132 = arith.constant 0 : i32
    %dma_wait3A_133 = arith.constant 0 : i32
    %dma_wait3A_134 = tpu.memref_slice %arg6[%dma_wait3A_116, %dma_wait3A_132, %dma_wait3A_133] : memref<4x64x256xf32, #tpu.memory_space<vmem>> -> memref<1x64x256xf32, #tpu.memory_space<vmem>>
    %dma_wait3A_135 = tpu.memref_squeeze %dma_wait3A_134 : memref<1x64x256xf32, #tpu.memory_space<vmem>> -> memref<64x256xf32, #tpu.memory_space<vmem>>
    tpu.wait_dma2 semaphore(%dma_wait3A_127 : memref<!tpu.dma_semaphore, #tpu.memory_space<semaphore_mem>>) src(%dma_wait3A_135 : memref<64x256xf32, #tpu.memory_space<vmem>>) dst(%dma_wait3A_131 : memref<64x256xf32, #tpu.memory_space<hbm>>)
    return
  }
}

</mosaic_0001>

<sc_bundles>
// kernel: _gather.3.cloned.1.call-start
scs
__scs_entry_jumppad:
0x0: {  	(pc) =	sbr.rel $0x88, $3  }
0x1: {  	(tag) =	ssettag $0x0;
	lr =	simm.s32 $0x1  }
0x2: {  	[smem:$0x3F9F] =	sst lr;
	_ =	strace $0xD0000000  }
0x3: {  	_ = 	snop  }
0x4: {  	_ = 	snop  }
0x5: {  	_ = 	snop  }
0x6: {  	_ = 	snop  }
0x7: {  	_ = 	snop  }
__scs_overlays_trampoline_lowered:
0x8: {  	[smem:$0x3FAE] =	sst s0  }
0x9: {  	[smem:$0x3FAF] =	sst s1  }
0xa: {  	[smem:$0x3FB0] =	sst s2  }
0xb: {  	[smem:$0x3FB1] =	sst s3  }
0xc: {  	[smem:$0x3FB2] =	sst s4  }
0xd: {  	[smem:$0x3FB3] =	sst s5  }
0xe: {  	[smem:$0x3FB4] =	sst s6  }
0xf: {  	[smem:$0x3FB5] =	sst s7  }
0x10: {  	[smem:$0x3FB6] =	sst s8  }
0x11: {  	[smem:$0x3FB7] =	sst s9;
	s0 =	simm.s32 @!p0 $0x0  }
0x12: {  	s1 =	sld [smem:$0x3F9D];
	s0 =	simm.s32 @p0 $0x1  }
0x13: {  	[smem:$0x3FB8] =	sst s0;
	s0 =	simm.s32 @!p1 $0x0  }
0x14: {  	s2 =	sld [smem:$0x3F9C];
	s0 =	simm.s32 @p1 $0x1  }
0x15: {  	[smem:$0x3FB9] =	sst s0;
	s0 =	simm.s32 @!p2 $0x0  }
0x16: {  	s3 =	sld [smem:$0x3FDB];
	s0 =	simm.s32 @p2 $0x1  }
0x17: {  	s4 =	simm.s32 $0x1BF5;
	[smem:$0x3FBB] =	sst s0  }
0x18: {  	s0 =	sld [smem:$0x3F9E];
	_ =	swait.ge [sflag:s4], $0x0  }
0x19: {  	s7 =	sld [smem:$0x3F9F]  }
0x1a: {  	s8 =	sadd.s32 $0xFFFFE003, lr  }
0x1b: {  	s9 =	sadd.s32 $0xFFFFFEF7, lr;
	s5 =	simm.s32 $0xFFFFFFFF;
	p2 =	slt.u32 s8, $0xFFFFF086  }
0x1c: {  	p1 =	slt.u32 s9, $0xF7A;
	s5 =	simm.s32 @!p2 $0x0  }
0x1d: {  	s5 =	simm.s32 @p1 $0x1;
	p0 =	seq.s32 s7, s2  }
0x1e: {  	s7 =	smul.u32 @!p0 $0xF7A, s2;
	p2 =	seq.s32 @!p0 s5, $0x0  }
0x1f: {  	s9 =	smul.u32 $0xF7A, s1;
	s8 =	simm.s32 @!p0 $0x1BF5;
	p2 =	por !p2, p0  }
0x20: {  	[sflag:s8] =	ssyncset.s32 @!p0 $0xFFFFF086;
	s6 =	sadd.s32 @!p0 s3, s7;
	s7 =	simm.s32 @!p0 $0x108  }
0x21: {  	s3 =	sadd.s32 s3, s9;
	s6 =	sadd.s32 @!p0 $0x88, s6;
	s7 =	simm.s32 @p2 $0x1082  }
0x22: {  	[simem:s7], [sflag:s8] =	dma.local @!p0 [hbm:s6], $0xF7A  }
0x23: {  	s9 =	sor.u32 $0xD0000000, s2;
	s6 =	simm.s32 $0x108;
	_ =	swait.ge @!p0 [sflag:s8], $0x0  }
0x24: {  	s3 =	sadd.s32 $0x88, s3;
	s6 =	simm.s32 @!p1 $0x1082;
	[sflag:s4] =	ssyncset.s32 $0xFFFFF086  }
0x25: {  	[simem:s6], [sflag:s4] =	dma.local [hbm:s3], $0xF7A  }
0x26: {  	[smem:$0x3F9F] =	sst s1;
	(tag) =	ssettag s2;
	_ =	strace s9  }
0x27: {  	s1 =	sld [smem:$0x3FAF]  }
0x28: {  	s2 =	sld [smem:$0x3FB0]  }
0x29: {  	s4 =	sld [smem:$0x3FB2]  }
0x2a: {  	p0 =	seq.s32 s5, $0x0;
	s5 =	sld [smem:$0x3FB3]  }
0x2b: {  	s6 =	sld [smem:$0x3FB4]  }
0x2c: {  	s7 =	sld [smem:$0x3FB5]  }
0x2d: {  	s3 =	simm.s32 $0x108;
	s8 =	sld [smem:$0x3FB6]  }
0x2e: {  	s3 =	simm.s32 @!p0 $0x1082;
	s9 =	sld [smem:$0x3FB7]  }
0x2f: {  	lr =	sadd.s32 s0, s3;
	s0 =	sld [smem:$0x3FAE]  }
0x30: {  	s3 =	sld [smem:$0x3FB1]  }
0x31: {  	[smem:$0x3FBA] =	sst s10  }
0x32: {  	s10 =	sld [smem:$0x3FB8];
	_ =	sdelay $0x3  }
0x33: {  	p0 =	seq.s32 s10, $0x1;
	s10 =	sld [smem:$0x3FBA];
	_ =	sdelay $0x3  }
0x34: {  	[smem:$0x3FBA] =	sst s10  }
0x35: {  	s10 =	sld [smem:$0x3FB9];
	_ =	sdelay $0x3  }
0x36: {  	p1 =	seq.s32 s10, $0x1;
	s10 =	sld [smem:$0x3FBA];
	_ =	sdelay $0x3  }
0x37: {  	[smem:$0x3FBA] =	sst s10  }
0x38: {  	s10 =	sld [smem:$0x3FBB]  }
0x39: {  	_ = 	snop;
	(pc) =	sbr.ind lr, $3  }
0x3a: {  	_ = 	snop  }
0x3b: {  	_ = 	snop  }
0x3c: {  	p2 =	seq.s32 s10, $0x1;
	s10 =	sld [smem:$0x3FBA]  }
0x3d: {  	_ =	shalt  }
0x3e: {  	_ =	shalt  }
0x3f: {  	_ =	shalt  }
0x40: {  	_ =	shalt  }
0x41: {  	_ =	shalt  }
0x42: {  	_ =	shalt  }
0x43: {  	_ =	shalt  }
0x44: {  	_ =	shalt  }
0x45: {  	_ =	shalt  }
0x46: {  	_ =	shalt  }
0x47: {  	_ =	shalt  }
0x48: {  	_ =	shalt  }
0x49: {  	_ =	shalt  }
0x4a: {  	_ =	shalt  }
0x4b: {  	_ =	shalt  }
0x4c: {  	_ =	shalt  }
0x4d: {  	_ =	shalt  }
0x4e: {  	_ =	shalt  }
0x4f: {  	_ =	shalt  }
0x50: {  	_ =	shalt  }
0x51: {  	_ =	shalt  }
0x52: {  	_ =	shalt  }
0x53: {  	_ =	shalt  }
0x54: {  	_ =	shalt  }
0x55: {  	_ =	shalt  }
0x56: {  	_ =	shalt  }
0x57: {  	_ =	shalt  }
0x58: {  	_ =	shalt  }
0x59: {  	_ =	shalt  }
0x5a: {  	_ =	shalt  }
0x5b: {  	_ =	shalt  }
0x5c: {  	_ =	shalt  }
0x5d: {  	_ =	shalt  }
0x5e: {  	_ =	shalt  }
0x5f: {  	_ =	shalt  }
0x60: {  	_ =	shalt  }
0x61: {  	_ =	shalt  }
0x62: {  	_ =	shalt  }
0x63: {  	_ =	shalt  }
0x64: {  	_ =	shalt  }
0x65: {  	_ =	shalt  }
0x66: {  	_ =	shalt  }
0x67: {  	_ =	shalt  }
0x68: {  	_ =	shalt  }
0x69: {  	_ =	shalt  }
0x6a: {  	_ =	shalt  }
0x6b: {  	_ =	shalt  }
0x6c: {  	_ =	shalt  }
0x6d: {  	_ =	shalt  }
0x6e: {  	_ =	shalt  }
0x6f: {  	_ =	shalt  }
0x70: {  	_ =	shalt  }
0x71: {  	_ =	shalt  }
0x72: {  	_ =	shalt  }
0x73: {  	_ =	shalt  }
0x74: {  	_ =	shalt  }
0x75: {  	_ =	shalt  }
0x76: {  	_ =	shalt  }
0x77: {  	_ =	shalt  }
0x78: {  	_ =	shalt  }
0x79: {  	_ =	shalt  }
0x7a: {  	_ =	shalt  }
0x7b: {  	_ =	shalt  }
0x7c: {  	_ =	shalt  }
0x7d: {  	_ =	shalt  }
0x7e: {  	_ =	shalt  }
0x7f: {  	_ =	shalt  }
0x80: {  	_ =	shalt  }
0x81: {  	_ =	shalt  }
0x82: {  	_ =	shalt  }
0x83: {  	_ =	shalt  }
0x84: {  	_ =	shalt  }
0x85: {  	_ =	shalt  }
0x86: {  	_ =	shalt  }
0x87: {  	_ =	shalt  }
.Lfunc_end0:
.L_simem_size_0:
called_computation_lowered:
.L_overlay_start_0:
0x88: {  	s2 =	sld [smem:$0x3FD9]  }
0x89: {  	s3 =	sld [smem:$0x3FFE];
	_ =	sdelay $0x1  }
0x8a: {  	s1 =	srdreg.scid  }
0x8b: {  	s0 =	sand.u32 $0x1, s1  }
0x8c: {  	s18 =	sshll.u32 s0, $0xA;
	s2 =	sadd.s32 s3, s2  }
0x8d: {  	s2 =	sadd.s32 s2, s18  }
0x8e: {  	[smem:$0x3FC6] =	sst s2  }
0x8f: {  	_ = 	snop  }
0x90: {  	s2 =	sld [smem:$0x3FC9]  }
0x91: {  	s19 =	sld [smem:$0x3FC8]  }
0x92: {  	s4 =	sld [smem:$0x3FD0];
	(tm) =	ssettm $0x1  }
0x93: {  	s5 =	sld [smem:$0x3FFB];
	_ =	sdelay $0x3  }
0x94: {  	_ =	strace s5  }
0x95: {  	s5 =	sld [smem:$0x3FFC];
	_ =	sdelay $0x3  }
0x96: {  	_ =	strace s5  }
0x97: {  	s5 =	sld [smem:$0x3FFD];
	_ =	sdelay $0x3  }
0x98: {  	_ =	strace s5  }
0x99: {  	_ =	strace $0x8FFFFFFF  }
0x9a: {  	s20 =	sld [smem:$0x3FDB];
	_ =	sdelay $0x1  }
0x9b: {  	s6 =	simm.s32 $_scs_section_size  }
0x9c: {  	s7 =	simm.s32 $_size__tile_overlayer_lowered;
	s8 =	simm.s32 $_tile_overlayer_lowered  }
0x9d: {  	s23 =	simm.s32 $0x1BFF;
	s22 =	sshll.u32 s8, $0x1;
	s5 =	sadd.s32 s6, s20  }
0x9e: {  	s9 =	simm.s32 $0x0;
	s21 =	sshll.u32 s7, $0x1;
	s7 =	sadd.s32 s22, s5  }
0x9f: {  	[timem:s9], [sflag:s23] =	dma.local [hbm:s7], s21  }
0xa0: {  	_ =	swait.ge [sflag:s23], s21  }
0xa1: {  	s6 =	ssub.s32 $0x0, s21;
	[sflag:s23] =	ssyncset.done $0x0  }
0xa2: {  	[sflag:s23] =	ssyncadd.s32 s6;
	_ =	sdelay $0x1  }
0xa3: {  	s24 =	simm.s32 $0x1B8B  }
0xa4: {  	_ =	swait.ge [sflag:s24], $0x1  }
0xa5: {  	[sflag:s24] =	ssyncset.done $0x0  }
0xa6: {  	s25 =	simm.s32 $0x1B8E;
	[sflag:s24] =	ssyncadd.s32 $0xFFFFFFFF  }
0xa7: {  	s26 =	simm.s32 $execute0_lowered;
	[smem:$0x3FD2] =	sst s25  }
0xa8: {  	s6 =	sshll.u32 s26, $0x1;
	_ =	strace $0x80000046;
	[dreg:$0x1] =	wrdreg $0xFFFFFFFF  }
0xa9: {  	s28 =	simm.s32 $_size_execute0_lowered;
	s5 =	sadd.s32 s5, s6;
	[dreg:$0x0] =	wrdreg $0x0  }
0xaa: {  	s6 =	sshll.u32 s28, $0x1;
	[dreg:$0x2] =	wrdreg s5  }
0xab: {  	[dreg:$0x3] =	wrdreg s6  }
0xac: {  	[dreg:$0x4] =	wrdreg $0xC0  }
0xad: {  	_ =	task [dreg:s9], $0x5FFFF  }
0xae: {  	[dreg:$0x1] =	wrdreg $0xFFFFFFFF  }
0xaf: {  	[dreg:$0x0] =	wrdreg $0x60  }
0xb0: {  	[dreg:$0x2] =	wrdreg s2  }
0xb1: {  	[dreg:$0x3] =	wrdreg s19  }
0xb2: {  	[dreg:$0x4] =	wrdreg s4  }
0xb3: {  	[dreg:$0x5] =	wrdreg $0x9  }
0xb4: {  	_ =	task.clear_ibuf [dreg:s9], $0x6FFFF;
	_ =	strace $0x90000046  }
0xb5: {  	s29 =	simm.s32 $0x9;
	_ =	strace $0x80000048  }
0xb6: {  	_ =	swait.ge [sflag:s29], $0x1  }
0xb7: {  	[sflag:s29] =	ssyncadd.s32 $0xFFFFFFFF  }
0xb8: {  	_ =	strace $0x90000048  }
0xb9: {  	_ =	sfence  }
0xba: {  	s30 =	sld [smem:$0x0];
	_ =	sdelay $0x2  }
0xbb: {  	s31 =	sshll.u32 s1, $0xD;
	s1 =	sshrl.u32 s1, $0x2  }
0xbc: {  	s3 =	sand.u32 $0x4000, s31;
	s1 =	sadd.s32 s1, s30  }
0xbd: {  	s0 =	sor.u32 s3, s0;
	s1 =	sshll.u32 s1, $0x11  }
0xbe: {  	s0 =	sor.u32 s1, s0  }
0xbf: {  	s0 =	sadd.s32 $0x8F2B, s0  }
0xc0: {  	[sflag:s0] =	ssyncadd.remote.s32 $0x1  }
0xc1: {  	_ =	sfence.sel $0xFFFF  }
0xc2: {  	[dreg:$0x0] =	wrdreg $0xFFFFFFFF;
	(pc) =	sbr.abs _section_cstart, $3  }
0xc3: {  	[dreg:$0x1] =	wrdreg $0xFFFFFFFF  }
0xc4: {  	_ =	task.clear_ibuf [dreg:s9], $0x2FFFF;
	_ =	strace $0x9FFFFFFF  }
0xc5: {  	(tm) =	ssettm $0x7FFFFFFF  }
tec
execute0_lowered:
.L_overlay_start_1:
0x0: {  	(tag) =	ssettag $0x1  }
0x1: {  	s0 =	rddreg [dreg:$0x0]  }
0x2: {  	s1 =	rddreg [dreg:$0x1]  }
0x3: {  	s2 =	rddreg [dreg:$0x2]  }
0x4: {  	s3 =	simm.s32 $0x0;
	s4 =	srdreg.scid;
	s10 =	stileid.u32  }
0x5: {  	s13 =	simm.s32 $0x400;
	s31 =	simm.s32 $0x8400;
	s14 =	simm.s32 $0xBC00  }
0x6: {  	s15 =	simm.s32 $0xC400;
	s28 =	simm.s32 $0x4;
	s29 =	simm.s32 $0x5  }
0x7: {  	s30 =	simm.s32 $0x6;
	[smem:$0x7FF] =	sst s3;
	s4 =	sand.u32 $0x1, s4  }
0x8: {  	s5 =	sshll.u32 s10, $0x1;
	s7 =	sshll.u32 s10, $0x8;
	s17 =	sshll.u32 s10, $0x13  }
0x9: {  	s10 =	simm.s32 $0x8;
	_ =	strace $0x80000047;
	s6 =	ssub.s32 $0x2, s4  }
0xa: {  	s5 =	sor.u32 s4, s5;
	s7 =	sand.u32 $0xC00, s7;
	s4 =	sshll.u32 s4, $0x12  }
0xb: {  	s8 =	sshrl.u32 s6, $0x1;
	s9 =	sshll.u32 s5, $0x4;
	s0 =	sadd.s32 s0, s7  }
0xc: {  	s5 =	sshll.u32 s5, $0xF;
	s4 =	sor.u32 s4, s17;
	s7 =	simm.s32 $0xB400  }
0xd: {  	s17 =	simm.s32 $0xD400;
	s6 =	ssub.s32 s6, s8;
	s16 =	sand.u32 $0x70, s9  }
0xe: {  	s18 =	sadd.s32 s5, s2;
	s21 =	sor.u32 $0xC000, s4;
	s23 =	sor.u32 $0x8000, s4  }
0xf: {  	s25 =	sor.u32 $0x4000, s4;
	s4 =	sshrl.u32 s4, $0x3;
	s5 =	simm.s32 $0xAC00  }
0x10: {  	s0 =	sadd.s32 s16, s0;
	s19 =	smax.u32 s6, $0x1;
	s20 =	sadd.s32 $0x6800, s18  }
0x11: {  	s22 =	sshrl.u32 s21, $0x3;
	s24 =	sshrl.u32 s23, $0x3;
	s26 =	sshrl.u32 s25, $0x3  }
0x12: {  	s11 =	sadd.s32 s4, s2;
	s4 =	simm.s32 $0xA400;
	s16 =	simm.s32 $0xCC00  }
0x13: {  	s21 =	simm.s32 $0xF400;
	s23 =	simm.s32 $0xFC00;
	[dreg:$0x4] =	wrdreg s0  }
0x14: {  	s25 =	simm.s32 $0x2;
	s6 =	simm.s32 $0x7;
	[dreg:$0x5] =	wrdreg s19  }
.Ltmp0:
0x15: {  	[dreg:$0x6] =	wrdreg s20;
	s0 =	sadd.s32 $0x7800, s18;
	(pc) =	sbr.rel .LBB2_1-.Ltmp0, $4  }
0x16: {  	s8 =	sadd.s32 s22, s2;
	s9 =	sadd.s32 s24, s2;
	s22 =	simm.s32 $0x4400  }
0x17: {  	v2 =	vlaneseq.u32;
	s18 =	simm.s32 $0xDC00;
	s19 =	simm.s32 $0xE400;
	s20 =	simm.s32 $0xEC00  }
0x18: {  	vm0 =	vmmov $0xffff;
	v1 =	vshrl.u32 v2, $0x3;
	s24 =	simm.s32 $0x1;
	[dreg:$0x7] =	wrdreg s0;
	s0 =	sadd.s32 s26, s2  }
0x19: {  	v0 =	vand.u32 $0x7, v2;
	v2 =	vor.u32 $0x8, v2;
	v1 =	vmul.u32 $0x8, v1;
	s26 =	simm.s32 $0x3;
	s2 =	simm.s32 $0x0;
	[dreg:$0x8] =	wrdreg s0  }
.LBB2_7:
0x1a: {  	_ =	swait.ge [sflag:s28], $0x4000  }
0x1b: {  	[sflag:s28] =	ssyncset.done $0x0  }
0x1c: {  	s0 =	rddreg [dreg:$0x7];
	[sflag:s28] =	ssyncadd.s32 $0xFFFFC000  }
0x1d: {  	[hbm4b:s0+s3] =	stream.linear.scatter [tilespmem:s15], [sflag:$0x8], $0x4000, $0x38;
	[tilespmem:$0x10400] =	vst v63  }
0x1e: {  	_ =	swait.ge [sflag:s29], $0x4000  }
0x1f: {  	[sflag:s29] =	ssyncset.done $0x0  }
0x20: {  	[sflag:s29] =	ssyncadd.s32 $0xFFFFC000  }
0x21: {  	_ =	swait.ge [sflag:s30], $0x4000  }
0x22: {  	[sflag:s30] =	ssyncset.done $0x0  }
0x23: {  	[sflag:s30] =	ssyncadd.s32 $0xFFFFC000  }
0x24: {  	_ =	swait.ge [sflag:s6], $0x4000  }
0x25: {  	[sflag:s6] =	ssyncset.done $0x0  }
0x26: {  	[sflag:s6] =	ssyncadd.s32 $0xFFFFC000  }
0x27: {  	_ =	swait.ge [sflag:s10], $0x4000  }
0x28: {  	s2 =	rddreg [dreg:$0x9]  }
0x29: {  	s12 =	rddreg [dreg:$0x5];
	s2 =	sadd.s32 $0x1, s2  }
0x2a: {  	p0 =	sne.s32 s2, s12  }
.Ltmp1:
0x2b: {  	_ = 	snop;
	(pc) =	sbr.rel @!p0 .LBB2_8-.Ltmp1, $3  }
0x2c: {  	_ =	sdelay $0x1  }
0x2d: {  	[sflag:s10] =	ssyncset.done $0x0  }
0x2e: {  	[sflag:s10] =	ssyncadd.s32 $0xFFFFC000  }
.LBB2_1:
0x2f: {  	[dreg:$0x9] =	wrdreg s2  }
0x30: {  	s0 =	rddreg [dreg:$0x4];
	s12 =	simm.s32 $0x80;
	s2 =	simm.s32 $0x9  }
0x31: {  	[tilespmem:s3], [sflag:$0x9] =	stream.strided.gather [hbm4b:s0+s12], $0x400, s13, s12, $0x38;
	[tilespmem:$0x10400] =	vst v63  }
0x32: {  	_ =	swait.ge [sflag:s2], $0x400  }
0x33: {  	[sflag:s2] =	ssyncset.done $0x0  }
0x34: {  	[sflag:s2] =	ssyncadd.s32 $0xFFFFFC00  }
0x35: {  	v3 =	vld [tilespmem:$0x0];
	_ =	sdelay $0x4  }
0x36: {  	v4 =	vshll.u32 v3, $0x1  }
0x37: {  	v3 =	vand.u32 $0x7, v3;
	v4 =	vand.u32 $0xFFFFFFF0, v4  }
0x38: {  	v3 =	vor.u32 v3, v4  }
0x39: {  	v4 =	vperm.xlane v3, v0;
	_ =	sdelay $0x1  }
0x3a: {  	v3 =	vperm.xlane v3, v2;
	v4 =	vadd.s32 v1, v4;
	_ =	sdelay $0x1  }
0x3b: {  	v3 =	vadd.s32 v1, v3;
	_ =	sdelay $0x2  }
0x3c: {  	[tilespmem:s13], [sflag:$0x1] =	stream.indirect_vreg.gather [hbm4b:s1+s3], $0x80, v4, vm0, $0xb8;
	[tilespmem:$0x10400] =	vst v63  }
0x3d: {  	s12 =	simm.s32 $0xC00  }
0x3e: {  	[tilespmem:s12], [sflag:$0x1] =	stream.indirect_vreg.gather [hbm4b:s1+s3], $0x80, v3, vm0, $0xb8;
	[tilespmem:$0x10400] =	vst v63  }
0x3f: {  	v3 =	vld [tilespmem:$0x10];
	_ =	sdelay $0x4  }
0x40: {  	v49 =	vshll.u32 v3, $0x1  }
0x41: {  	v3 =	vand.u32 $0x7, v3;
	v4 =	vand.u32 $0xFFFFFFF0, v49  }
0x42: {  	v3 =	vor.u32 v3, v4  }
0x43: {  	v4 =	vperm.xlane v3, v0;
	_ =	sdelay $0x1  }
0x44: {  	v3 =	vperm.xlane v3, v2;
	v4 =	vadd.s32 v1, v4;
	_ =	sdelay $0x1  }
0x45: {  	v3 =	vadd.s32 v1, v3;
	_ =	sdelay $0x1  }
0x46: {  	s2 =	simm.s32 $0x1400  }
0x47: {  	[tilespmem:s2], [sflag:$0x1] =	stream.indirect_vreg.gather [hbm4b:s1+s3], $0x80, v4, vm0, $0xb8;
	[tilespmem:$0x10400] =	vst v63  }
0x48: {  	s12 =	simm.s32 $0x1C00  }
0x49: {  	[tilespmem:s12], [sflag:$0x1] =	stream.indirect_vreg.gather [hbm4b:s1+s3], $0x80, v3, vm0, $0xb8;
	[tilespmem:$0x10400] =	vst v63  }
0x4a: {  	v3 =	vld [tilespmem:$0x20];
	_ =	sdelay $0x4  }
0x4b: {  	v50 =	vshll.u32 v3, $0x1  }
0x4c: {  	v3 =	vand.u32 $0x7, v3;
	v4 =	vand.u32 $0xFFFFFFF0, v50  }
0x4d: {  	v3 =	vor.u32 v3, v4  }
0x4e: {  	v4 =	vperm.xlane v3, v0;
	_ =	sdelay $0x1  }
0x4f: {  	v3 =	vperm.xlane v3, v2;
	v4 =	vadd.s32 v1, v4;
	_ =	sdelay $0x1  }
0x50: {  	v3 =	vadd.s32 v1, v3;
	_ =	sdelay $0x1  }
0x51: {  	s2 =	simm.s32 $0x2400  }
0x52: {  	[tilespmem:s2], [sflag:$0x1] =	stream.indirect_vreg.gather [hbm4b:s1+s3], $0x80, v4, vm0, $0xb8;
	[tilespmem:$0x10400] =	vst v63  }
0x53: {  	s12 =	simm.s32 $0x2C00  }
0x54: {  	[tilespmem:s12], [sflag:$0x1] =	stream.indirect_vreg.gather [hbm4b:s1+s3], $0x80, v3, vm0, $0xb8;
	[tilespmem:$0x10400] =	vst v63  }
0x55: {  	v3 =	vld [tilespmem:$0x30];
	_ =	sdelay $0x4  }
0x56: {  	v51 =	vshll.u32 v3, $0x1  }
0x57: {  	v3 =	vand.u32 $0x7, v3;
	v4 =	vand.u32 $0xFFFFFFF0, v51  }
0x58: {  	v3 =	vor.u32 v3, v4  }
0x59: {  	v4 =	vperm.xlane v3, v0;
	_ =	sdelay $0x1  }
0x5a: {  	v3 =	vperm.xlane v3, v2;
	v4 =	vadd.s32 v1, v4;
	_ =	sdelay $0x1  }
0x5b: {  	v3 =	vadd.s32 v1, v3;
	_ =	sdelay $0x1  }
0x5c: {  	s2 =	simm.s32 $0x3400  }
0x5d: {  	[tilespmem:s2], [sflag:$0x1] =	stream.indirect_vreg.gather [hbm4b:s1+s3], $0x80, v4, vm0, $0xb8;
	[tilespmem:$0x10400] =	vst v63  }
0x5e: {  	s12 =	simm.s32 $0x3C00  }
0x5f: {  	[tilespmem:s12], [sflag:$0x1] =	stream.indirect_vreg.gather [hbm4b:s1+s3], $0x80, v3, vm0, $0xb8;
	[tilespmem:$0x10400] =	vst v63  }
0x60: {  	v3 =	vld [tilespmem:$0x40];
	_ =	sdelay $0x4  }
0x61: {  	v52 =	vshll.u32 v3, $0x1  }
0x62: {  	v3 =	vand.u32 $0x7, v3;
	v4 =	vand.u32 $0xFFFFFFF0, v52  }
0x63: {  	v3 =	vor.u32 v3, v4  }
0x64: {  	v4 =	vperm.xlane v3, v0;
	_ =	sdelay $0x1  }
0x65: {  	v3 =	vperm.xlane v3, v2;
	v4 =	vadd.s32 v1, v4;
	_ =	sdelay $0x1  }
0x66: {  	v3 =	vadd.s32 v1, v3;
	_ =	sdelay $0x2  }
0x67: {  	[tilespmem:s22], [sflag:$0x2] =	stream.indirect_vreg.gather [hbm4b:s1+s3], $0x80, v4, vm0, $0xb8;
	[tilespmem:$0x10400] =	vst v63  }
0x68: {  	s2 =	simm.s32 $0x4C00  }
0x69: {  	[tilespmem:s2], [sflag:$0x2] =	stream.indirect_vreg.gather [hbm4b:s1+s3], $0x80, v3, vm0, $0xb8;
	[tilespmem:$0x10400] =	vst v63  }
0x6a: {  	v3 =	vld [tilespmem:$0x50];
	_ =	sdelay $0x4  }
0x6b: {  	v53 =	vshll.u32 v3, $0x1  }
0x6c: {  	v3 =	vand.u32 $0x7, v3;
	v4 =	vand.u32 $0xFFFFFFF0, v53  }
0x6d: {  	v3 =	vor.u32 v3, v4  }
0x6e: {  	v4 =	vperm.xlane v3, v0;
	_ =	sdelay $0x1  }
0x6f: {  	v3 =	vperm.xlane v3, v2;
	v4 =	vadd.s32 v1, v4;
	_ =	sdelay $0x1  }
0x70: {  	v3 =	vadd.s32 v1, v3;
	_ =	sdelay $0x1  }
0x71: {  	s12 =	simm.s32 $0x5400  }
0x72: {  	[tilespmem:s12], [sflag:$0x2] =	stream.indirect_vreg.gather [hbm4b:s1+s3], $0x80, v4, vm0, $0xb8;
	[tilespmem:$0x10400] =	vst v63  }
0x73: {  	s2 =	simm.s32 $0x5C00  }
0x74: {  	[tilespmem:s2], [sflag:$0x2] =	stream.indirect_vreg.gather [hbm4b:s1+s3], $0x80, v3, vm0, $0xb8;
	[tilespmem:$0x10400] =	vst v63  }
0x75: {  	v3 =	vld [tilespmem:$0x60];
	_ =	sdelay $0x4  }
0x76: {  	v54 =	vshll.u32 v3, $0x1  }
0x77: {  	v3 =	vand.u32 $0x7, v3;
	v4 =	vand.u32 $0xFFFFFFF0, v54  }
0x78: {  	v3 =	vor.u32 v3, v4  }
0x79: {  	v4 =	vperm.xlane v3, v0;
	_ =	sdelay $0x1  }
0x7a: {  	v3 =	vperm.xlane v3, v2;
	v4 =	vadd.s32 v1, v4;
	_ =	sdelay $0x1  }
0x7b: {  	v3 =	vadd.s32 v1, v3;
	_ =	sdelay $0x1  }
0x7c: {  	s12 =	simm.s32 $0x6400  }
0x7d: {  	[tilespmem:s12], [sflag:$0x2] =	stream.indirect_vreg.gather [hbm4b:s1+s3], $0x80, v4, vm0, $0xb8;
	[tilespmem:$0x10400] =	vst v63  }
0x7e: {  	s2 =	simm.s32 $0x6C00  }
0x7f: {  	[tilespmem:s2], [sflag:$0x2] =	stream.indirect_vreg.gather [hbm4b:s1+s3], $0x80, v3, vm0, $0xb8;
	[tilespmem:$0x10400] =	vst v63  }
0x80: {  	v3 =	vld [tilespmem:$0x70];
	_ =	sdelay $0x4  }
0x81: {  	v55 =	vshll.u32 v3, $0x1  }
0x82: {  	v3 =	vand.u32 $0x7, v3;
	v4 =	vand.u32 $0xFFFFFFF0, v55  }
0x83: {  	v3 =	vor.u32 v3, v4  }
0x84: {  	v4 =	vperm.xlane v3, v0;
	_ =	sdelay $0x1  }
0x85: {  	v3 =	vperm.xlane v3, v2;
	v4 =	vadd.s32 v1, v4;
	_ =	sdelay $0x1  }
0x86: {  	v3 =	vadd.s32 v1, v3;
	_ =	sdelay $0x1  }
0x87: {  	s12 =	simm.s32 $0x7400  }
0x88: {  	[tilespmem:s12], [sflag:$0x2] =	stream.indirect_vreg.gather [hbm4b:s1+s3], $0x80, v4, vm0, $0xb8;
	[tilespmem:$0x10400] =	vst v63  }
0x89: {  	s2 =	simm.s32 $0x7C00  }
0x8a: {  	[tilespmem:s2], [sflag:$0x2] =	stream.indirect_vreg.gather [hbm4b:s1+s3], $0x80, v3, vm0, $0xb8;
	[tilespmem:$0x10400] =	vst v63  }
0x8b: {  	v3 =	vld [tilespmem:$0x80];
	_ =	sdelay $0x4  }
0x8c: {  	v56 =	vshll.u32 v3, $0x1  }
0x8d: {  	v3 =	vand.u32 $0x7, v3;
	v4 =	vand.u32 $0xFFFFFFF0, v56  }
0x8e: {  	v3 =	vor.u32 v3, v4  }
0x8f: {  	v4 =	vperm.xlane v3, v0;
	_ =	sdelay $0x1  }
0x90: {  	v3 =	vperm.xlane v3, v2;
	v4 =	vadd.s32 v1, v4;
	_ =	sdelay $0x1  }
0x91: {  	v3 =	vadd.s32 v1, v3;
	_ =	sdelay $0x2  }
0x92: {  	[tilespmem:s31], [sflag:$0x3] =	stream.indirect_vreg.gather [hbm4b:s1+s3], $0x80, v4, vm0, $0xb8;
	[tilespmem:$0x10400] =	vst v63  }
0x93: {  	s12 =	simm.s32 $0x8C00  }
0x94: {  	[tilespmem:s12], [sflag:$0x3] =	stream.indirect_vreg.gather [hbm4b:s1+s3], $0x80, v3, vm0, $0xb8;
	[tilespmem:$0x10400] =	vst v63  }
0x95: {  	v3 =	vld [tilespmem:$0x90];
	_ =	sdelay $0x4  }
0x96: {  	v57 =	vshll.u32 v3, $0x1  }
0x97: {  	v3 =	vand.u32 $0x7, v3;
	v4 =	vand.u32 $0xFFFFFFF0, v57  }
0x98: {  	v3 =	vor.u32 v3, v4  }
0x99: {  	v4 =	vperm.xlane v3, v0;
	_ =	sdelay $0x1  }
0x9a: {  	v3 =	vperm.xlane v3, v2;
	v4 =	vadd.s32 v1, v4;
	_ =	sdelay $0x1  }
0x9b: {  	v3 =	vadd.s32 v1, v3;
	_ =	sdelay $0x1  }
0x9c: {  	s2 =	simm.s32 $0x9400  }
0x9d: {  	[tilespmem:s2], [sflag:$0x3] =	stream.indirect_vreg.gather [hbm4b:s1+s3], $0x80, v4, vm0, $0xb8;
	[tilespmem:$0x10400] =	vst v63  }
0x9e: {  	s12 =	simm.s32 $0x9C00  }
0x9f: {  	[tilespmem:s12], [sflag:$0x3] =	stream.indirect_vreg.gather [hbm4b:s1+s3], $0x80, v3, vm0, $0xb8;
	[tilespmem:$0x10400] =	vst v63  }
0xa0: {  	v3 =	vld [tilespmem:$0xA0];
	_ =	sdelay $0x4  }
0xa1: {  	v58 =	vshll.u32 v3, $0x1  }
0xa2: {  	v3 =	vand.u32 $0x7, v3;
	v4 =	vand.u32 $0xFFFFFFF0, v58  }
0xa3: {  	v3 =	vor.u32 v3, v4  }
0xa4: {  	v4 =	vperm.xlane v3, v0;
	_ =	sdelay $0x1  }
0xa5: {  	v3 =	vperm.xlane v3, v2;
	v4 =	vadd.s32 v1, v4;
	_ =	sdelay $0x1  }
0xa6: {  	v3 =	vadd.s32 v1, v3;
	_ =	sdelay $0x2  }
0xa7: {  	[tilespmem:s4], [sflag:$0x3] =	stream.indirect_vreg.gather [hbm4b:s1+s3], $0x80, v4, vm0, $0xb8;
	[tilespmem:$0x10400] =	vst v63  }
0xa8: {  	_ = 	snop  }
0xa9: {  	[tilespmem:s5], [sflag:$0x3] =	stream.indirect_vreg.gather [hbm4b:s1+s3], $0x80, v3, vm0, $0xb8;
	[tilespmem:$0x10400] =	vst v63  }
0xaa: {  	v3 =	vld [tilespmem:$0xB0];
	_ =	sdelay $0x4  }
0xab: {  	v59 =	vshll.u32 v3, $0x1  }
0xac: {  	v3 =	vand.u32 $0x7, v3;
	v4 =	vand.u32 $0xFFFFFFF0, v59  }
0xad: {  	v3 =	vor.u32 v3, v4  }
0xae: {  	v4 =	vperm.xlane v3, v0;
	_ =	sdelay $0x1  }
0xaf: {  	v3 =	vperm.xlane v3, v2;
	v4 =	vadd.s32 v1, v4;
	_ =	sdelay $0x1  }
0xb0: {  	v3 =	vadd.s32 v1, v3;
	_ =	sdelay $0x2  }
0xb1: {  	[tilespmem:s7], [sflag:$0x3] =	stream.indirect_vreg.gather [hbm4b:s1+s3], $0x80, v4, vm0, $0xb8;
	[tilespmem:$0x10400] =	vst v63  }
0xb2: {  	_ = 	snop  }
0xb3: {  	[tilespmem:s14], [sflag:$0x3] =	stream.indirect_vreg.gather [hbm4b:s1+s3], $0x80, v3, vm0, $0xb8;
	[tilespmem:$0x10400] =	vst v63  }
0xb4: {  	v3 =	vld [tilespmem:$0xC0];
	_ =	sdelay $0x4  }
0xb5: {  	v60 =	vshll.u32 v3, $0x1  }
0xb6: {  	v3 =	vand.u32 $0x7, v3;
	v4 =	vand.u32 $0xFFFFFFF0, v60  }
0xb7: {  	v3 =	vor.u32 v3, v4  }
0xb8: {  	v4 =	vperm.xlane v3, v0;
	_ =	sdelay $0x1  }
0xb9: {  	v3 =	vperm.xlane v3, v2;
	v4 =	vadd.s32 v1, v4;
	_ =	sdelay $0x1  }
0xba: {  	v3 =	vadd.s32 v1, v3;
	_ =	sdelay $0x2  }
0xbb: {  	[tilespmem:s15], [sflag:$0x4] =	stream.indirect_vreg.gather [hbm4b:s1+s3], $0x80, v4, vm0, $0xb8;
	[tilespmem:$0x10400] =	vst v63  }
0xbc: {  	_ = 	snop  }
0xbd: {  	[tilespmem:s16], [sflag:$0x4] =	stream.indirect_vreg.gather [hbm4b:s1+s3], $0x80, v3, vm0, $0xb8;
	[tilespmem:$0x10400] =	vst v63  }
0xbe: {  	v3 =	vld [tilespmem:$0xD0];
	_ =	sdelay $0x4  }
0xbf: {  	v61 =	vshll.u32 v3, $0x1  }
0xc0: {  	v3 =	vand.u32 $0x7, v3;
	v4 =	vand.u32 $0xFFFFFFF0, v61  }
0xc1: {  	v3 =	vor.u32 v3, v4  }
0xc2: {  	v4 =	vperm.xlane v3, v0;
	_ =	sdelay $0x1  }
0xc3: {  	v3 =	vperm.xlane v3, v2;
	v4 =	vadd.s32 v1, v4;
	_ =	sdelay $0x1  }
0xc4: {  	v3 =	vadd.s32 v1, v3;
	_ =	sdelay $0x2  }
0xc5: {  	[tilespmem:s17], [sflag:$0x4] =	stream.indirect_vreg.gather [hbm4b:s1+s3], $0x80, v4, vm0, $0xb8;
	[tilespmem:$0x10400] =	vst v63  }
0xc6: {  	_ = 	snop  }
0xc7: {  	[tilespmem:s18], [sflag:$0x4] =	stream.indirect_vreg.gather [hbm4b:s1+s3], $0x80, v3, vm0, $0xb8;
	[tilespmem:$0x10400] =	vst v63  }
0xc8: {  	v3 =	vld [tilespmem:$0xE0];
	_ =	sdelay $0x4  }
0xc9: {  	v62 =	vshll.u32 v3, $0x1  }
0xca: {  	v3 =	vand.u32 $0x7, v3;
	v4 =	vand.u32 $0xFFFFFFF0, v62  }
0xcb: {  	v3 =	vor.u32 v3, v4  }
0xcc: {  	v4 =	vperm.xlane v3, v0;
	_ =	sdelay $0x1  }
0xcd: {  	v3 =	vperm.xlane v3, v2;
	v4 =	vadd.s32 v1, v4;
	_ =	sdelay $0x1  }
0xce: {  	v3 =	vadd.s32 v1, v3;
	_ =	sdelay $0x2  }
0xcf: {  	[tilespmem:s19], [sflag:$0x4] =	stream.indirect_vreg.gather [hbm4b:s1+s3], $0x80, v4, vm0, $0xb8;
	[tilespmem:$0x10400] =	vst v63  }
0xd0: {  	_ = 	snop  }
0xd1: {  	[tilespmem:s20], [sflag:$0x4] =	stream.indirect_vreg.gather [hbm4b:s1+s3], $0x80, v3, vm0, $0xb8;
	[tilespmem:$0x10400] =	vst v63  }
0xd2: {  	v3 =	vld [tilespmem:$0xF0];
	_ =	sdelay $0x4  }
0xd3: {  	v63 =	vshll.u32 v3, $0x1  }
0xd4: {  	v3 =	vand.u32 $0x7, v3;
	v4 =	vand.u32 $0xFFFFFFF0, v63  }
0xd5: {  	v3 =	vor.u32 v3, v4  }
0xd6: {  	v4 =	vperm.xlane v3, v0;
	_ =	sdelay $0x1  }
0xd7: {  	v3 =	vperm.xlane v3, v2;
	v4 =	vadd.s32 v1, v4;
	_ =	sdelay $0x1  }
0xd8: {  	v3 =	vadd.s32 v1, v3;
	_ =	sdelay $0x2  }
0xd9: {  	[tilespmem:s21], [sflag:$0x4] =	stream.indirect_vreg.gather [hbm4b:s1+s3], $0x80, v4, vm0, $0xb8;
	[tilespmem:$0x10400] =	vst v63  }
0xda: {  	s0 =	simm.s32 $0x1F0;
	s2 =	simm.s32 $0x0  }
0xdb: {  	[tilespmem:s23], [sflag:$0x4] =	stream.indirect_vreg.gather [hbm4b:s1+s3], $0x80, v3, vm0, $0xb8;
	[tilespmem:$0x10400] =	vst v63  }
.LBB2_2:
0xdc: {  	p0 =	seq.s32 s2, $0x6000  }
.Ltmp2:
0xdd: {  	_ = 	snop;
	(pc) =	sbr.rel @!p0 .LBB2_3-.Ltmp2, $4  }
0xde: {  	_ =	swait.ge [sflag:s24], $0x4000  }
0xdf: {  	[sflag:s24] =	ssyncset.done $0x0  }
0xe0: {  	s12 =	sadd.s32 s2, s11;
	[sflag:s24] =	ssyncadd.s32 $0xFFFFC000  }
0xe1: {  	[hbm4b:s12+s3] =	stream.linear.scatter [tilespmem:s13], [sflag:$0x5], $0x4000, $0x38;
	[tilespmem:$0x10400] =	vst v63  }
.Ltmp3:
0xe2: {  	(pc) =	sbr.rel .LBB2_5-.Ltmp3, $4  }
0xe3: {  	_ =	swait.ge [sflag:s25], $0x4000  }
0xe4: {  	[sflag:s25] =	ssyncset.done $0x0  }
0xe5: {  	s12 =	rddreg [dreg:$0x6];
	[sflag:s25] =	ssyncadd.s32 $0xFFFFC000  }
0xe6: {  	[hbm4b:s12+s3] =	stream.linear.scatter [tilespmem:s22], [sflag:$0x6], $0x4000, $0x38;
	[tilespmem:$0x10400] =	vst v63  }
.LBB2_3:
0xe7: {  	_ =	swait.ge [sflag:s29], $0x4000  }
0xe8: {  	[sflag:s29] =	ssyncset.done $0x0  }
0xe9: {  	[sflag:s29] =	ssyncadd.s32 $0xFFFFC000  }
0xea: {  	v3 =	vld [tilespmem:s0+$0xFFFFFF10];
	_ =	sdelay $0x4  }
0xeb: {  	v4 =	vshll.u32 v3, $0x1  }
0xec: {  	v3 =	vand.u32 $0x7, v3;
	v4 =	vand.u32 $0xFFFFFFF0, v4  }
0xed: {  	v3 =	vor.u32 v3, v4  }
0xee: {  	v4 =	vperm.xlane v3, v0;
	_ =	sdelay $0x1  }
0xef: {  	v3 =	vperm.xlane v3, v2;
	v4 =	vadd.s32 v1, v4;
	_ =	sdelay $0x1  }
0xf0: {  	v3 =	vadd.s32 v1, v3;
	_ =	sdelay $0x2  }
0xf1: {  	[tilespmem:s13], [sflag:$0x1] =	stream.indirect_vreg.gather [hbm4b:s1+s3], $0x80, v4, vm0, $0xb8;
	[tilespmem:$0x10400] =	vst v63  }
0xf2: {  	s12 =	simm.s32 $0xC00  }
0xf3: {  	[tilespmem:s12], [sflag:$0x1] =	stream.indirect_vreg.gather [hbm4b:s1+s3], $0x80, v3, vm0, $0xb8;
	[tilespmem:$0x10400] =	vst v63  }
0xf4: {  	v3 =	vld [tilespmem:s0+$0xFFFFFF20];
	_ =	sdelay $0x4  }
0xf5: {  	v57 =	vshll.u32 v3, $0x1  }
0xf6: {  	v3 =	vand.u32 $0x7, v3;
	v4 =	vand.u32 $0xFFFFFFF0, v57  }
0xf7: {  	v3 =	vor.u32 v3, v4  }
0xf8: {  	v4 =	vperm.xlane v3, v0;
	_ =	sdelay $0x1  }
0xf9: {  	v3 =	vperm.xlane v3, v2;
	v4 =	vadd.s32 v1, v4;
	_ =	sdelay $0x1  }
0xfa: {  	v3 =	vadd.s32 v1, v3;
	_ =	sdelay $0x1  }
0xfb: {  	s12 =	simm.s32 $0x1400  }
0xfc: {  	[tilespmem:s12], [sflag:$0x1] =	stream.indirect_vreg.gather [hbm4b:s1+s3], $0x80, v4, vm0, $0xb8;
	[tilespmem:$0x10400] =	vst v63  }
0xfd: {  	s12 =	simm.s32 $0x1C00  }
0xfe: {  	[tilespmem:s12], [sflag:$0x1] =	stream.indirect_vreg.gather [hbm4b:s1+s3], $0x80, v3, vm0, $0xb8;
	[tilespmem:$0x10400] =	vst v63  }
0xff: {  	v3 =	vld [tilespmem:s0+$0xFFFFFF30];
	_ =	sdelay $0x4  }
0x100: {  	v58 =	vshll.u32 v3, $0x1  }
0x101: {  	v3 =	vand.u32 $0x7, v3;
	v4 =	vand.u32 $0xFFFFFFF0, v58  }
0x102: {  	v3 =	vor.u32 v3, v4  }
0x103: {  	v4 =	vperm.xlane v3, v0;
	_ =	sdelay $0x1  }
0x104: {  	v3 =	vperm.xlane v3, v2;
	v4 =	vadd.s32 v1, v4;
	_ =	sdelay $0x1  }
0x105: {  	v3 =	vadd.s32 v1, v3;
	_ =	sdelay $0x1  }
0x106: {  	s12 =	simm.s32 $0x2400  }
0x107: {  	[tilespmem:s12], [sflag:$0x1] =	stream.indirect_vreg.gather [hbm4b:s1+s3], $0x80, v4, vm0, $0xb8;
	[tilespmem:$0x10400] =	vst v63  }
0x108: {  	s12 =	simm.s32 $0x2C00  }
0x109: {  	[tilespmem:s12], [sflag:$0x1] =	stream.indirect_vreg.gather [hbm4b:s1+s3], $0x80, v3, vm0, $0xb8;
	[tilespmem:$0x10400] =	vst v63  }
0x10a: {  	v3 =	vld [tilespmem:s0+$0xFFFFFF40];
	_ =	sdelay $0x4  }
0x10b: {  	v59 =	vshll.u32 v3, $0x1  }
0x10c: {  	v3 =	vand.u32 $0x7, v3;
	v4 =	vand.u32 $0xFFFFFFF0, v59  }
0x10d: {  	v3 =	vor.u32 v3, v4  }
0x10e: {  	v4 =	vperm.xlane v3, v0;
	_ =	sdelay $0x1  }
0x10f: {  	v3 =	vperm.xlane v3, v2;
	v4 =	vadd.s32 v1, v4;
	_ =	sdelay $0x1  }
0x110: {  	v3 =	vadd.s32 v1, v3;
	_ =	sdelay $0x1  }
0x111: {  	s12 =	simm.s32 $0x3400  }
0x112: {  	[tilespmem:s12], [sflag:$0x1] =	stream.indirect_vreg.gather [hbm4b:s1+s3], $0x80, v4, vm0, $0xb8;
	[tilespmem:$0x10400] =	vst v63  }
0x113: {  	s12 =	simm.s32 $0x3C00  }
0x114: {  	[tilespmem:s12], [sflag:$0x1] =	stream.indirect_vreg.gather [hbm4b:s1+s3], $0x80, v3, vm0, $0xb8;
	[tilespmem:$0x10400] =	vst v63  }
0x115: {  	_ =	swait.ge [sflag:s25], $0x4000  }
0x116: {  	[sflag:s25] =	ssyncset.done $0x0;
	s12 =	rddreg [dreg:$0x8]  }
0x117: {  	[sflag:s25] =	ssyncadd.s32 $0xFFFFC000;
	s12 =	sadd.s32 s2, s12  }
0x118: {  	[hbm4b:s12+s3] =	stream.linear.scatter [tilespmem:s22], [sflag:$0x6], $0x4000, $0x38;
	[tilespmem:$0x10400] =	vst v63  }
0x119: {  	_ =	swait.ge [sflag:s30], $0x4000  }
0x11a: {  	[sflag:s30] =	ssyncset.done $0x0  }
0x11b: {  	[sflag:s30] =	ssyncadd.s32 $0xFFFFC000  }
0x11c: {  	v3 =	vld [tilespmem:s0+$0xFFFFFF50];
	_ =	sdelay $0x4  }
0x11d: {  	v60 =	vshll.u32 v3, $0x1  }
0x11e: {  	v3 =	vand.u32 $0x7, v3;
	v4 =	vand.u32 $0xFFFFFFF0, v60  }
0x11f: {  	v3 =	vor.u32 v3, v4  }
0x120: {  	v4 =	vperm.xlane v3, v0;
	_ =	sdelay $0x1  }
0x121: {  	v3 =	vperm.xlane v3, v2;
	v4 =	vadd.s32 v1, v4;
	_ =	sdelay $0x1  }
0x122: {  	v3 =	vadd.s32 v1, v3;
	_ =	sdelay $0x2  }
0x123: {  	[tilespmem:s22], [sflag:$0x2] =	stream.indirect_vreg.gather [hbm4b:s1+s3], $0x80, v4, vm0, $0xb8;
	[tilespmem:$0x10400] =	vst v63  }
0x124: {  	s12 =	simm.s32 $0x4C00  }
0x125: {  	[tilespmem:s12], [sflag:$0x2] =	stream.indirect_vreg.gather [hbm4b:s1+s3], $0x80, v3, vm0, $0xb8;
	[tilespmem:$0x10400] =	vst v63  }
0x126: {  	v3 =	vld [tilespmem:s0+$0xFFFFFF60];
	_ =	sdelay $0x4  }
0x127: {  	v61 =	vshll.u32 v3, $0x1  }
0x128: {  	v3 =	vand.u32 $0x7, v3;
	v4 =	vand.u32 $0xFFFFFFF0, v61  }
0x129: {  	v3 =	vor.u32 v3, v4  }
0x12a: {  	v4 =	vperm.xlane v3, v0;
	_ =	sdelay $0x1  }
0x12b: {  	v3 =	vperm.xlane v3, v2;
	v4 =	vadd.s32 v1, v4;
	_ =	sdelay $0x1  }
0x12c: {  	v3 =	vadd.s32 v1, v3;
	_ =	sdelay $0x1  }
0x12d: {  	s12 =	simm.s32 $0x5400  }
0x12e: {  	[tilespmem:s12], [sflag:$0x2] =	stream.indirect_vreg.gather [hbm4b:s1+s3], $0x80, v4, vm0, $0xb8;
	[tilespmem:$0x10400] =	vst v63  }
0x12f: {  	s12 =	simm.s32 $0x5C00  }
0x130: {  	[tilespmem:s12], [sflag:$0x2] =	stream.indirect_vreg.gather [hbm4b:s1+s3], $0x80, v3, vm0, $0xb8;
	[tilespmem:$0x10400] =	vst v63  }
0x131: {  	v3 =	vld [tilespmem:s0+$0xFFFFFF70];
	_ =	sdelay $0x4  }
0x132: {  	v62 =	vshll.u32 v3, $0x1  }
0x133: {  	v3 =	vand.u32 $0x7, v3;
	v4 =	vand.u32 $0xFFFFFFF0, v62  }
0x134: {  	v3 =	vor.u32 v3, v4  }
0x135: {  	v4 =	vperm.xlane v3, v0;
	_ =	sdelay $0x1  }
0x136: {  	v3 =	vperm.xlane v3, v2;
	v4 =	vadd.s32 v1, v4;
	_ =	sdelay $0x1  }
0x137: {  	v3 =	vadd.s32 v1, v3;
	_ =	sdelay $0x1  }
0x138: {  	s12 =	simm.s32 $0x6400  }
0x139: {  	[tilespmem:s12], [sflag:$0x2] =	stream.indirect_vreg.gather [hbm4b:s1+s3], $0x80, v4, vm0, $0xb8;
	[tilespmem:$0x10400] =	vst v63  }
0x13a: {  	s12 =	simm.s32 $0x6C00  }
0x13b: {  	[tilespmem:s12], [sflag:$0x2] =	stream.indirect_vreg.gather [hbm4b:s1+s3], $0x80, v3, vm0, $0xb8;
	[tilespmem:$0x10400] =	vst v63  }
0x13c: {  	v3 =	vld [tilespmem:s0+$0xFFFFFF80];
	_ =	sdelay $0x4  }
0x13d: {  	v63 =	vshll.u32 v3, $0x1  }
0x13e: {  	v3 =	vand.u32 $0x7, v3;
	v4 =	vand.u32 $0xFFFFFFF0, v63  }
0x13f: {  	v3 =	vor.u32 v3, v4  }
0x140: {  	v4 =	vperm.xlane v3, v0;
	_ =	sdelay $0x1  }
0x141: {  	v3 =	vperm.xlane v3, v2;
	v4 =	vadd.s32 v1, v4;
	_ =	sdelay $0x1  }
0x142: {  	v3 =	vadd.s32 v1, v3;
	_ =	sdelay $0x1  }
0x143: {  	s12 =	simm.s32 $0x7400  }
0x144: {  	[tilespmem:s12], [sflag:$0x2] =	stream.indirect_vreg.gather [hbm4b:s1+s3], $0x80, v4, vm0, $0xb8;
	[tilespmem:$0x10400] =	vst v63  }
0x145: {  	s12 =	simm.s32 $0x7C00  }
0x146: {  	[tilespmem:s12], [sflag:$0x2] =	stream.indirect_vreg.gather [hbm4b:s1+s3], $0x80, v3, vm0, $0xb8;
	[tilespmem:$0x10400] =	vst v63  }
.LBB2_5:
.Ltmp4:
0x147: {  	(pc) =	sbr.rel @p0 .LBB2_7-.Ltmp4, $4  }
0x148: {  	_ =	swait.ge [sflag:s26], $0x4000  }
0x149: {  	[sflag:s26] =	ssyncset.done $0x0  }
0x14a: {  	s12 =	sadd.s32 s2, s9;
	[sflag:s26] =	ssyncadd.s32 $0xFFFFC000  }
0x14b: {  	[hbm4b:s12+s3] =	stream.linear.scatter [tilespmem:s31], [sflag:$0x7], $0x4000, $0x38;
	[tilespmem:$0x10400] =	vst v63  }
0x14c: {  	_ =	swait.ge [sflag:s6], $0x4000  }
0x14d: {  	[sflag:s6] =	ssyncset.done $0x0  }
0x14e: {  	[sflag:s6] =	ssyncadd.s32 $0xFFFFC000  }
0x14f: {  	v3 =	vld [tilespmem:s0+$0xFFFFFF90];
	_ =	sdelay $0x4  }
0x150: {  	v4 =	vshll.u32 v3, $0x1  }
0x151: {  	v3 =	vand.u32 $0x7, v3;
	v4 =	vand.u32 $0xFFFFFFF0, v4  }
0x152: {  	v3 =	vor.u32 v3, v4  }
0x153: {  	v4 =	vperm.xlane v3, v0;
	_ =	sdelay $0x1  }
0x154: {  	v3 =	vperm.xlane v3, v2;
	v4 =	vadd.s32 v1, v4;
	_ =	sdelay $0x1  }
0x155: {  	v3 =	vadd.s32 v1, v3;
	_ =	sdelay $0x2  }
0x156: {  	[tilespmem:s31], [sflag:$0x3] =	stream.indirect_vreg.gather [hbm4b:s1+s3], $0x80, v4, vm0, $0xb8;
	[tilespmem:$0x10400] =	vst v63  }
0x157: {  	s12 =	simm.s32 $0x8C00  }
0x158: {  	[tilespmem:s12], [sflag:$0x3] =	stream.indirect_vreg.gather [hbm4b:s1+s3], $0x80, v3, vm0, $0xb8;
	[tilespmem:$0x10400] =	vst v63  }
0x159: {  	v3 =	vld [tilespmem:s0+$0xFFFFFFA0];
	_ =	sdelay $0x4  }
0x15a: {  	v57 =	vshll.u32 v3, $0x1  }
0x15b: {  	v3 =	vand.u32 $0x7, v3;
	v4 =	vand.u32 $0xFFFFFFF0, v57  }
0x15c: {  	v3 =	vor.u32 v3, v4  }
0x15d: {  	v4 =	vperm.xlane v3, v0;
	_ =	sdelay $0x1  }
0x15e: {  	v3 =	vperm.xlane v3, v2;
	v4 =	vadd.s32 v1, v4;
	_ =	sdelay $0x1  }
0x15f: {  	v3 =	vadd.s32 v1, v3;
	_ =	sdelay $0x1  }
0x160: {  	s12 =	simm.s32 $0x9400  }
0x161: {  	[tilespmem:s12], [sflag:$0x3] =	stream.indirect_vreg.gather [hbm4b:s1+s3], $0x80, v4, vm0, $0xb8;
	[tilespmem:$0x10400] =	vst v63  }
0x162: {  	s12 =	simm.s32 $0x9C00  }
0x163: {  	[tilespmem:s12], [sflag:$0x3] =	stream.indirect_vreg.gather [hbm4b:s1+s3], $0x80, v3, vm0, $0xb8;
	[tilespmem:$0x10400] =	vst v63  }
0x164: {  	v3 =	vld [tilespmem:s0+$0xFFFFFFB0];
	_ =	sdelay $0x4  }
0x165: {  	v58 =	vshll.u32 v3, $0x1  }
0x166: {  	v3 =	vand.u32 $0x7, v3;
	v4 =	vand.u32 $0xFFFFFFF0, v58  }
0x167: {  	v3 =	vor.u32 v3, v4  }
0x168: {  	v4 =	vperm.xlane v3, v0;
	_ =	sdelay $0x1  }
0x169: {  	v3 =	vperm.xlane v3, v2;
	v4 =	vadd.s32 v1, v4;
	_ =	sdelay $0x1  }
0x16a: {  	v3 =	vadd.s32 v1, v3;
	_ =	sdelay $0x2  }
0x16b: {  	[tilespmem:s4], [sflag:$0x3] =	stream.indirect_vreg.gather [hbm4b:s1+s3], $0x80, v4, vm0, $0xb8;
	[tilespmem:$0x10400] =	vst v63  }
0x16c: {  	_ = 	snop  }
0x16d: {  	[tilespmem:s5], [sflag:$0x3] =	stream.indirect_vreg.gather [hbm4b:s1+s3], $0x80, v3, vm0, $0xb8;
	[tilespmem:$0x10400] =	vst v63  }
0x16e: {  	v3 =	vld [tilespmem:s0+$0xFFFFFFC0];
	_ =	sdelay $0x4  }
0x16f: {  	v59 =	vshll.u32 v3, $0x1  }
0x170: {  	v3 =	vand.u32 $0x7, v3;
	v4 =	vand.u32 $0xFFFFFFF0, v59  }
0x171: {  	v3 =	vor.u32 v3, v4  }
0x172: {  	v4 =	vperm.xlane v3, v0;
	_ =	sdelay $0x1  }
0x173: {  	v3 =	vperm.xlane v3, v2;
	v4 =	vadd.s32 v1, v4;
	_ =	sdelay $0x1  }
0x174: {  	v3 =	vadd.s32 v1, v3;
	_ =	sdelay $0x2  }
0x175: {  	[tilespmem:s7], [sflag:$0x3] =	stream.indirect_vreg.gather [hbm4b:s1+s3], $0x80, v4, vm0, $0xb8;
	[tilespmem:$0x10400] =	vst v63  }
0x176: {  	_ = 	snop  }
0x177: {  	[tilespmem:s14], [sflag:$0x3] =	stream.indirect_vreg.gather [hbm4b:s1+s3], $0x80, v3, vm0, $0xb8;
	[tilespmem:$0x10400] =	vst v63  }
0x178: {  	_ =	swait.ge [sflag:s28], $0x4000  }
0x179: {  	[sflag:s28] =	ssyncset.done $0x0  }
0x17a: {  	s12 =	sadd.s32 s2, s8;
	[sflag:s28] =	ssyncadd.s32 $0xFFFFC000  }
0x17b: {  	[hbm4b:s12+s3] =	stream.linear.scatter [tilespmem:s15], [sflag:$0x8], $0x4000, $0x38;
	[tilespmem:$0x10400] =	vst v63  }
0x17c: {  	_ =	swait.ge [sflag:s10], $0x4000  }
0x17d: {  	[sflag:s10] =	ssyncset.done $0x0  }
0x17e: {  	[sflag:s10] =	ssyncadd.s32 $0xFFFFC000  }
0x17f: {  	v3 =	vld [tilespmem:s0+$0xFFFFFFD0];
	_ =	sdelay $0x4  }
0x180: {  	v60 =	vshll.u32 v3, $0x1  }
0x181: {  	v3 =	vand.u32 $0x7, v3;
	v4 =	vand.u32 $0xFFFFFFF0, v60  }
0x182: {  	v3 =	vor.u32 v3, v4  }
0x183: {  	v4 =	vperm.xlane v3, v0;
	_ =	sdelay $0x1  }
0x184: {  	v3 =	vperm.xlane v3, v2;
	v4 =	vadd.s32 v1, v4;
	_ =	sdelay $0x1  }
0x185: {  	v3 =	vadd.s32 v1, v3;
	_ =	sdelay $0x2  }
0x186: {  	[tilespmem:s15], [sflag:$0x4] =	stream.indirect_vreg.gather [hbm4b:s1+s3], $0x80, v4, vm0, $0xb8;
	[tilespmem:$0x10400] =	vst v63  }
0x187: {  	_ = 	snop  }
0x188: {  	[tilespmem:s16], [sflag:$0x4] =	stream.indirect_vreg.gather [hbm4b:s1+s3], $0x80, v3, vm0, $0xb8;
	[tilespmem:$0x10400] =	vst v63  }
0x189: {  	v3 =	vld [tilespmem:s0+$0xFFFFFFE0];
	_ =	sdelay $0x4  }
0x18a: {  	v61 =	vshll.u32 v3, $0x1  }
0x18b: {  	v3 =	vand.u32 $0x7, v3;
	v4 =	vand.u32 $0xFFFFFFF0, v61  }
0x18c: {  	v3 =	vor.u32 v3, v4  }
0x18d: {  	v4 =	vperm.xlane v3, v0;
	_ =	sdelay $0x1  }
0x18e: {  	v3 =	vperm.xlane v3, v2;
	v4 =	vadd.s32 v1, v4;
	_ =	sdelay $0x1  }
0x18f: {  	v3 =	vadd.s32 v1, v3;
	_ =	sdelay $0x2  }
0x190: {  	[tilespmem:s17], [sflag:$0x4] =	stream.indirect_vreg.gather [hbm4b:s1+s3], $0x80, v4, vm0, $0xb8;
	[tilespmem:$0x10400] =	vst v63  }
0x191: {  	_ = 	snop  }
0x192: {  	[tilespmem:s18], [sflag:$0x4] =	stream.indirect_vreg.gather [hbm4b:s1+s3], $0x80, v3, vm0, $0xb8;
	[tilespmem:$0x10400] =	vst v63  }
0x193: {  	v3 =	vld [tilespmem:s0+$0xFFFFFFF0];
	_ =	sdelay $0x4  }
0x194: {  	v62 =	vshll.u32 v3, $0x1  }
0x195: {  	v3 =	vand.u32 $0x7, v3;
	v4 =	vand.u32 $0xFFFFFFF0, v62  }
0x196: {  	v3 =	vor.u32 v3, v4  }
0x197: {  	v4 =	vperm.xlane v3, v0;
	_ =	sdelay $0x1  }
0x198: {  	v3 =	vperm.xlane v3, v2;
	v4 =	vadd.s32 v1, v4;
	_ =	sdelay $0x1  }
0x199: {  	v3 =	vadd.s32 v1, v3;
	_ =	sdelay $0x2  }
0x19a: {  	[tilespmem:s19], [sflag:$0x4] =	stream.indirect_vreg.gather [hbm4b:s1+s3], $0x80, v4, vm0, $0xb8;
	[tilespmem:$0x10400] =	vst v63  }
0x19b: {  	_ = 	snop  }
0x19c: {  	[tilespmem:s20], [sflag:$0x4] =	stream.indirect_vreg.gather [hbm4b:s1+s3], $0x80, v3, vm0, $0xb8;
	[tilespmem:$0x10400] =	vst v63  }
0x19d: {  	v3 =	vld [tilespmem:s0+$0x0];
	_ =	sdelay $0x4  }
0x19e: {  	v63 =	vshll.u32 v3, $0x1  }
0x19f: {  	v3 =	vand.u32 $0x7, v3;
	v4 =	vand.u32 $0xFFFFFFF0, v63  }
0x1a0: {  	v3 =	vor.u32 v3, v4  }
0x1a1: {  	v4 =	vperm.xlane v3, v0;
	_ =	sdelay $0x1  }
0x1a2: {  	v3 =	vperm.xlane v3, v2;
	v4 =	vadd.s32 v1, v4;
	_ =	sdelay $0x1  }
0x1a3: {  	v3 =	vadd.s32 v1, v3  }
.Ltmp5:
0x1a4: {  	_ = 	snop;
	(pc) =	sbr.rel .LBB2_2-.Ltmp5, $4  }
0x1a5: {  	_ = 	snop  }
0x1a6: {  	[tilespmem:s21], [sflag:$0x4] =	stream.indirect_vreg.gather [hbm4b:s1+s3], $0x80, v4, vm0, $0xb8;
	[tilespmem:$0x10400] =	vst v63  }
0x1a7: {  	s2 =	sadd.s32 $0x2000, s2;
	s0 =	sadd.s32 $0x100, s0  }
0x1a8: {  	[tilespmem:s23], [sflag:$0x4] =	stream.indirect_vreg.gather [hbm4b:s1+s3], $0x80, v3, vm0, $0xb8;
	[tilespmem:$0x10400] =	vst v63  }
.LBB2_8:
0x1a9: {  	_ =	sfence.sel $0x180000  }
0x1aa: {  	[bflag:$0x0] =	sbarrier.arrive $0xFFFF  }
0x1ab: {  	_ =	strace $0x90000047  }
0x1ac: {  	s0 =	stileid.u32;
	[bflag:$0x2] =	sbarrier.arrive $0xFFFF  }
0x1ad: {  	p0 =	sne.s32 s0, $0x0;
	s0 =	rddreg [dreg:$0x3]  }
0x1ae: {  	s0 =	sadd.s32 @!p0 $0x100000, s0  }
0x1af: {  	[sflag:s0] =	ssyncadd.tile.s32 @!p0 $0x1;
	_ =	shalt  }
.Lfunc_end2:
_tile_overlayer_lowered:
.L_overlay_start_2:
0x1b0: {  	(tag) =	ssettag $0x2  }
0x1b1: {  	s0 =	rddreg [dreg:$0x0];
	s2 =	stileid.u32  }
0x1b2: {  	s1 =	rddreg [dreg:$0x1];
	p0 =	sne.s32 s2, $0x0  }
0x1b3: {  	s3 =	rddreg [dreg:$0x2];
	[bflag:$0x3] =	sbarrier.arrive $0xFFFF;
	s2 =	simm.s32 @!p0 $0x1C09  }
0x1b4: {  	[timem:s3], [sflag:s2] =	dma.local @!p0 [hbm:s0], s1  }
0x1b5: {  	s0 =	simm.s32 @!p0 $0x9  }
0x1b6: {  	_ =	swait.ge @!p0 [sflag:s0], s1  }
0x1b7: {  	s1 =	ssub.s32 @!p0 $0x0, s1;
	[sflag:s0] =	ssyncset.done @!p0 $0x0  }
0x1b8: {  	[sflag:s0] =	ssyncadd.s32 @!p0 s1  }
0x1b9: {  	[bflag:$0x3] =	sbarrier.arrive $0xFFFF  }
0x1ba: {  	_ =	shalt  }

</sc_bundles>
